<compile_context>
chip_gen: v7x
topology: tpu7x:2x2x1
jax: 0.10.2.dev20260603
libtpu: 0.0.44.dev20260713+nightly
codegen_flags: <defaults>
</compile_context>

<pallas_src>
import functools

import jax
import jax.numpy as jnp
from jax import lax
from jax.experimental import pallas as pl
from jax.experimental.pallas import tpu as pltpu
from jax.experimental.pallas import tpu_sc as plsc

B = 8
N = 8192
G = 512
K = 32

_NW = 32
_IPW = (B * G * K) // _NW
_CH = 128
_NCH = _IPW // _CH


def _fps_kernel(xs_ref, ys_ref, zs_ref, center_ref):
    xs = xs_ref[...]
    ys = ys_ref[...]
    zs = zs_ref[...]
    iota = jax.lax.broadcasted_iota(jnp.int32, (B, N), 1)

    dist0 = jnp.full((B, N), jnp.inf, dtype=jnp.float32)
    last0 = jnp.zeros((B, 1), dtype=jnp.int32)

    def step(g, dist, last):
        sel = iota == last
        px = jnp.sum(jnp.where(sel, xs, 0.0), axis=1, keepdims=True)
        py = jnp.sum(jnp.where(sel, ys, 0.0), axis=1, keepdims=True)
        pz = jnp.sum(jnp.where(sel, zs, 0.0), axis=1, keepdims=True)
        center_ref[pl.ds(g, 1), :, :] = jnp.concatenate(
            [px, py, pz], axis=1
        ).reshape(1, B, 3)
        dx = xs - px
        dy = ys - py
        dz = zs - pz
        d = dx * dx + dy * dy + dz * dz
        dist = jnp.minimum(dist, d)
        m = jnp.max(dist, axis=1, keepdims=True)
        cand = jnp.where(dist == m, iota, N)
        nxt = jnp.min(cand, axis=1, keepdims=True)
        return dist, nxt

    def body(g4, carry):
        dist, last = carry
        g = g4 * 4
        for u in range(4):
            dist, last = step(g + u, dist, last)
        return dist, last

    jax.lax.fori_loop(0, G // 4, body, (dist0, last0))


_ROWS = 128


def _knn_kernel(xs_ref, ys_ref, zs_ref, center_ref, idx_ref):
    xsb = xs_ref[0]
    ysb = ys_ref[0]
    zsb = zs_ref[0]
    cx = center_ref[0, :, 0:1]
    cy = center_ref[0, :, 1:2]
    cz = center_ref[0, :, 2:3]
    dx = cx - xsb
    dy = cy - ysb
    dz = cz - zsb
    d = dx * dx + dy * dy + dz * dz
    iota = jax.lax.broadcasted_iota(jnp.int32, (_ROWS, N), 1)
    base = pl.program_id(0) * N

    for k in range(K):
        m = jnp.min(d, axis=1, keepdims=True)
        j = jnp.min(jnp.where(d == m, iota, N), axis=1, keepdims=True)
        idx_ref[0, :, k : k + 1] = j + base
        d = jnp.where(iota == j, jnp.inf, d)


@functools.partial(
    pl.kernel,
    mesh=plsc.VectorSubcoreMesh(core_axis_name="c", subcore_axis_name="s"),
    compiler_params=pltpu.CompilerParams(use_tc_tiling_on_sc=False),
    out_type=jax.ShapeDtypeStruct((B * G * K // _CH, _CH, 8), jnp.float32),
    scratch_types=[
        pltpu.VMEM((_CH,), jnp.int32),
        pltpu.VMEM((_CH, 8), jnp.float32),
        pltpu.SemaphoreType.DMA,
    ],
)
def _sc_gather(tbl_hbm, idx_hbm, out_hbm, idx_v, rows_v, sem):
    wid = lax.axis_index("s") * 2 + lax.axis_index("c")
    c0 = wid * _NCH

    def chunk(j, carry):
        pltpu.sync_copy(idx_hbm.at[c0 + j], idx_v)
        pltpu.async_copy(tbl_hbm.at[idx_v], rows_v, sem).wait()
        pltpu.sync_copy(rows_v, out_hbm.at[c0 + j])
        return carry

    lax.fori_loop(0, _NCH, chunk, 0)


def _sub_kernel(rows_ref, center_ref, nb_ref):
    nb_ref[...] = rows_ref[:, :, 0:3] - center_ref[...]


def kernel(xyz):
    xs = xyz[:, 0, :]
    ys = xyz[:, 1, :]
    zs = xyz[:, 2, :]

    center_t = pl.pallas_call(
        _fps_kernel,
        out_shape=jax.ShapeDtypeStruct((G, B, 3), jnp.float32),
    )(xs, ys, zs)
    center = jnp.transpose(center_t, (1, 0, 2))

    xs3 = xs[:, None, :]
    ys3 = ys[:, None, :]
    zs3 = zs[:, None, :]

    idx = pl.pallas_call(
        _knn_kernel,
        grid=(B, G // _ROWS),
        in_specs=[
            pl.BlockSpec((1, 1, N), lambda b, gb: (b, 0, 0)),
            pl.BlockSpec((1, 1, N), lambda b, gb: (b, 0, 0)),
            pl.BlockSpec((1, 1, N), lambda b, gb: (b, 0, 0)),
            pl.BlockSpec((1, _ROWS, 3), lambda b, gb: (b, gb, 0)),
        ],
        out_specs=pl.BlockSpec((1, _ROWS, K), lambda b, gb: (b, gb, 0)),
        out_shape=jax.ShapeDtypeStruct((B, G, K), jnp.int32),
    )(xs3, ys3, zs3, center)

    z = jnp.zeros_like(xs)
    tbl = jnp.stack([xs, ys, zs, z, z, z, z, z], axis=-1).reshape(B * N, 8)
    rows4 = _sc_gather(tbl, idx.reshape(B * G * K // _CH, _CH))

    neighborhood = pl.pallas_call(
        _sub_kernel,
        grid=(32,),
        in_specs=[
            pl.BlockSpec((128, K, 8), lambda i: (i, 0, 0)),
            pl.BlockSpec((128, 1, 3), lambda i: (i, 0, 0)),
        ],
        out_specs=pl.BlockSpec((128, K, 3), lambda i: (i, 0, 0)),
        out_shape=jax.ShapeDtypeStruct((B * G, K, 3), jnp.float32),
    )(rows4.reshape(B * G, K, 8), center.reshape(B * G, 1, 3))

    return neighborhood.reshape(B, G, K, 3), center

# --- scband reference (transcript-rebuilt; emitter-appended) ---
"""Pipeline reference for scband-group-41472204210680 (READ-ONLY COPY).

The authoritative reference and input builder live on the scoring server;
editing this copy changes nothing except your own understanding.
"""

import jax, jax.numpy as jnp
import numpy as np

NUM_GROUP = 512
GROUP_SIZE = 32


def fps(x, npoint):
    # x: [B, N, 3] -> centers [B, npoint, 3] via farthest point sampling (deterministic start at index 0)
    B, N, _ = x.shape

    def one(pts):
        init_dist = jnp.full((N,), jnp.inf, dtype=pts.dtype)

        def body(carry, _):
            dist, last = carry
            d = jnp.sum((pts - pts[last]) ** 2, axis=-1)
            dist = jnp.minimum(dist, d)
            nxt = jnp.argmax(dist).astype(jnp.int32)
            return (dist, nxt), last

        (_, _), idxs = jax.lax.scan(body, (init_dist, jnp.array(0, dtype=jnp.int32)), None, length=npoint)
        return idxs

    idxs = jax.vmap(one)(x)  # [B, npoint]
    center = jax.vmap(lambda p, i: p[i])(x, idxs)  # [B, npoint, 3]
    return center


def setup_inputs(seed: int = 0) -> dict:
    key = jax.random.key(seed)
    xyz = jax.random.normal(jax.random.fold_in(key, 0), (8, 3, 8192), dtype=jnp.float32)
    return {"xyz": xyz}


def reference(xyz):
    # xyz: [B, 3, N] channels-first, permute to [B, N, 3]
    x = jnp.transpose(xyz, (0, 2, 1))[:, :, :3]
    B, N, _ = x.shape
    center = fps(x, NUM_GROUP)  # [B, G, 3]
    # kNN: squared distances [B, G, N]
    dist_squared = jnp.sum((center[:, :, None, :] - x[:, None, :, :]) ** 2, axis=-1)
    _, idx = jax.lax.top_k(-dist_squared, GROUP_SIZE)  # smallest k distances
    idx_base = jnp.arange(B)[:, None, None] * N
    idx_flat = (idx + idx_base).reshape(-1)
    neighborhood = x.reshape(B * N, -1)[idx_flat, :]
    neighborhood = neighborhood.reshape(B, NUM_GROUP, GROUP_SIZE, 3)
    neighborhood = neighborhood - center[:, :, None, :]
    return (neighborhood, center)

if __name__ == "__main__":
    import jax
    _d = setup_inputs()
    print(jax.jit(kernel)(*tuple(_d.values())))

</pallas_src>

<mosaic_0001>
#map = affine_map<(d0, d1) -> (0, 0)>
#map1 = affine_map<(d0, d1) -> (0, 0, 0)>
module attributes {stable_mosaic.version = 14 : i64} {
  func.func @_sc_gather(%arg0: i32, %arg1: i32, %arg2: memref<65536x8xf32, #tpu.memory_space<hbm>>, %arg3: memref<1024x128xi32, #tpu.memory_space<hbm>>, %arg4: memref<1024x128x8xf32, #tpu.memory_space<hbm>>, %arg5: memref<128xi32, #tpu.memory_space<vmem>>, %arg6: memref<128x8xf32, #tpu.memory_space<vmem>>, %arg7: memref<!tpu.dma_semaphore, #tpu.memory_space<semaphore_mem>>) attributes {dimension_semantics = [#tpu.dimension_semantics<core_parallel>, #tpu.dimension_semantics<subcore_parallel>], iteration_bounds = array<i64: 2, 16>, scalar_prefetch = 0 : i64, scratch_operands = 3 : i64, tpu.core_type = #tpu.core_type<sc_vector_subcore>, window_params = [{transform_indices = #map}, {transform_indices = #map}, {transform_indices = #map1}]} {
    %mul3A = arith.constant 2 : i32
    %mul3A_0 = arith.muli %arg1, %mul3A : i32
    %add3A = arith.addi %mul3A_0, %arg0 : i32
    %mul3A_1 = arith.constant 32 : i32
    %mul3A_2 = arith.muli %add3A, %mul3A_1 : i32
    %scan3A = arith.constant 0 : i32
    %scan3A_3 = arith.constant 0 : i32
    %scan3A_4 = arith.constant 32 : i32
    %scan3A_5 = arith.addi %scan3A_3, %scan3A_4 : i32
    %scan3A_6 = arith.constant 1 : i32
    scf.for %scan3A_8 = %scan3A_3 to %scan3A_5 step %scan3A_6  : i32 {
      %add3A_9 = arith.addi %mul3A_2, %scan3A_8 : i32
      "tpu.region"() ({
        %run_scoped3A = tpu.sem_alloc : memref<!tpu.dma_semaphore, #tpu.memory_space<semaphore_mem>>
        %dma_start3A_15 = arith.constant 0 : i32
        %dma_start3A_16 = tpu.memref_slice %arg3[%add3A_9, %dma_start3A_15] : memref<1024x128xi32, #tpu.memory_space<hbm>> -> memref<1x128xi32, #tpu.memory_space<hbm>>
        %dma_start3A_17 = tpu.memref_squeeze %dma_start3A_16 : memref<1x128xi32, #tpu.memory_space<hbm>> -> memref<128xi32, #tpu.memory_space<hbm>>
        %dma_start3A_18 = arith.constant 0 : i32
        %dma_start3A_19 = tpu.memref_slice %arg3[%add3A_9, %dma_start3A_18] : memref<1024x128xi32, #tpu.memory_space<hbm>> -> memref<1x128xi32, #tpu.memory_space<hbm>>
        %dma_start3A_20 = tpu.memref_squeeze %dma_start3A_19 : memref<1x128xi32, #tpu.memory_space<hbm>> -> memref<128xi32, #tpu.memory_space<hbm>>
        tpu.enqueue_dma source(%dma_start3A_20 : memref<128xi32, #tpu.memory_space<hbm>>) target(%arg5 : memref<128xi32, #tpu.memory_space<vmem>>) target_semaphore(%run_scoped3A : memref<!tpu.dma_semaphore, #tpu.memory_space<semaphore_mem>>)
        %dma_wait3A_21 = arith.constant 0 : i32
        %dma_wait3A_22 = tpu.memref_slice %arg3[%add3A_9, %dma_wait3A_21] : memref<1024x128xi32, #tpu.memory_space<hbm>> -> memref<1x128xi32, #tpu.memory_space<hbm>>
        %dma_wait3A_23 = tpu.memref_squeeze %dma_wait3A_22 : memref<1x128xi32, #tpu.memory_space<hbm>> -> memref<128xi32, #tpu.memory_space<hbm>>
        %dma_wait3A_24 = arith.constant 0 : i32
        %dma_wait3A_25 = tpu.memref_slice %arg3[%add3A_9, %dma_wait3A_24] : memref<1024x128xi32, #tpu.memory_space<hbm>> -> memref<1x128xi32, #tpu.memory_space<hbm>>
        %dma_wait3A_26 = tpu.memref_squeeze %dma_wait3A_25 : memref<1x128xi32, #tpu.memory_space<hbm>> -> memref<128xi32, #tpu.memory_space<hbm>>
        tpu.wait_dma2 semaphore(%run_scoped3A : memref<!tpu.dma_semaphore, #tpu.memory_space<semaphore_mem>>) src(%dma_wait3A_26 : memref<128xi32, #tpu.memory_space<hbm>>) dst(%arg5 : memref<128xi32, #tpu.memory_space<vmem>>)
        tpu.yield
      }) : () -> ()
      %dma_start3A = arith.constant 0 : i32
      %dma_start3A_10 = arith.constant 0 : i32
      %dma_start3A_11 = tpu.memref_slice %arg2[%dma_start3A, %dma_start3A_10] : memref<65536x8xf32, #tpu.memory_space<hbm>> -> memref<65536x8xf32, #tpu.memory_space<hbm>>
      tpu.enqueue_indirect_dma source(%dma_start3A_11 : memref<65536x8xf32, #tpu.memory_space<hbm>>) target(%arg6 : memref<128x8xf32, #tpu.memory_space<vmem>>) offsets(%arg5 : memref<128xi32, #tpu.memory_space<vmem>>) semaphore(%arg7 : memref<!tpu.dma_semaphore, #tpu.memory_space<semaphore_mem>>)
      %dma_wait3A = arith.constant 0 : i32
      %dma_wait3A_12 = arith.constant 0 : i32
      %dma_wait3A_13 = tpu.memref_slice %arg2[%dma_wait3A, %dma_wait3A_12] : memref<65536x8xf32, #tpu.memory_space<hbm>> -> memref<65536x8xf32, #tpu.memory_space<hbm>>
      tpu.wait_indirect_dma semaphore(%arg7 : memref<!tpu.dma_semaphore, #tpu.memory_space<semaphore_mem>>) src(%dma_wait3A_13 : memref<65536x8xf32, #tpu.memory_space<hbm>>) dst(%arg6 : memref<128x8xf32, #tpu.memory_space<vmem>>)
      %add3A_14 = arith.addi %mul3A_2, %scan3A_8 : i32
      "tpu.region"() ({
        %run_scoped3A = tpu.sem_alloc : memref<!tpu.dma_semaphore, #tpu.memory_space<semaphore_mem>>
        %dma_start3A_15 = arith.constant 0 : i32
        %dma_start3A_16 = arith.constant 0 : i32
        %dma_start3A_17 = tpu.memref_slice %arg4[%add3A_14, %dma_start3A_15, %dma_start3A_16] : memref<1024x128x8xf32, #tpu.memory_space<hbm>> -> memref<1x128x8xf32, #tpu.memory_space<hbm>>
        %dma_start3A_18 = tpu.memref_squeeze %dma_start3A_17 : memref<1x128x8xf32, #tpu.memory_space<hbm>> -> memref<128x8xf32, #tpu.memory_space<hbm>>
        %dma_start3A_19 = arith.constant 0 : i32
        %dma_start3A_20 = arith.constant 0 : i32
        %dma_start3A_21 = tpu.memref_slice %arg4[%add3A_14, %dma_start3A_19, %dma_start3A_20] : memref<1024x128x8xf32, #tpu.memory_space<hbm>> -> memref<1x128x8xf32, #tpu.memory_space<hbm>>
        %dma_start3A_22 = tpu.memref_squeeze %dma_start3A_21 : memref<1x128x8xf32, #tpu.memory_space<hbm>> -> memref<128x8xf32, #tpu.memory_space<hbm>>
        tpu.enqueue_dma source(%arg6 : memref<128x8xf32, #tpu.memory_space<vmem>>) target(%dma_start3A_22 : memref<128x8xf32, #tpu.memory_space<hbm>>) target_semaphore(%run_scoped3A : memref<!tpu.dma_semaphore, #tpu.memory_space<semaphore_mem>>)
        %dma_wait3A_23 = arith.constant 0 : i32
        %dma_wait3A_24 = arith.constant 0 : i32
        %dma_wait3A_25 = tpu.memref_slice %arg4[%add3A_14, %dma_wait3A_23, %dma_wait3A_24] : memref<1024x128x8xf32, #tpu.memory_space<hbm>> -> memref<1x128x8xf32, #tpu.memory_space<hbm>>
        %dma_wait3A_26 = tpu.memref_squeeze %dma_wait3A_25 : memref<1x128x8xf32, #tpu.memory_space<hbm>> -> memref<128x8xf32, #tpu.memory_space<hbm>>
        %dma_wait3A_27 = arith.constant 0 : i32
        %dma_wait3A_28 = arith.constant 0 : i32
        %dma_wait3A_29 = tpu.memref_slice %arg4[%add3A_14, %dma_wait3A_27, %dma_wait3A_28] : memref<1024x128x8xf32, #tpu.memory_space<hbm>> -> memref<1x128x8xf32, #tpu.memory_space<hbm>>
        %dma_wait3A_30 = tpu.memref_squeeze %dma_wait3A_29 : memref<1x128x8xf32, #tpu.memory_space<hbm>> -> memref<128x8xf32, #tpu.memory_space<hbm>>
        tpu.wait_dma2 semaphore(%run_scoped3A : memref<!tpu.dma_semaphore, #tpu.memory_space<semaphore_mem>>) src(%arg6 : memref<128x8xf32, #tpu.memory_space<vmem>>) dst(%dma_wait3A_30 : memref<128x8xf32, #tpu.memory_space<hbm>>)
        tpu.yield
      }) : () -> ()
    }
    %scan3A_7 = arith.constant 32 : i32
    return
  }
}

module attributes {stable_mosaic.version = 14 : i64} {
  func.func @_fps_kernel(%arg0: memref<8x8192xf32, #tpu.memory_space<vmem>>, %arg1: memref<8x8192xf32, #tpu.memory_space<vmem>>, %arg2: memref<8x8192xf32, #tpu.memory_space<vmem>>, %arg3: memref<512x8x3xf32, #tpu.memory_space<vmem>>) attributes {dimension_semantics = [], scalar_prefetch = 0 : i64, scratch_operands = 0 : i64, tpu.core_type = #tpu.core_type<tc>} {
    %get3A = arith.constant 0 : index
    %get3A_0 = arith.constant 0 : index
    %get3A_1 = vector.load %arg0[%get3A, %get3A_0] : memref<8x8192xf32, #tpu.memory_space<vmem>>, vector<8x8192xf32>
    %get3A_2 = arith.constant 0 : index
    %get3A_3 = arith.constant 0 : index
    %get3A_4 = vector.load %arg1[%get3A_2, %get3A_3] : memref<8x8192xf32, #tpu.memory_space<vmem>>, vector<8x8192xf32>
    %get3A_5 = arith.constant 0 : index
    %get3A_6 = arith.constant 0 : index
    %get3A_7 = vector.load %arg2[%get3A_5, %get3A_6] : memref<8x8192xf32, #tpu.memory_space<vmem>>, vector<8x8192xf32>
    %iota3A = tpu.iota {dimensions = array<i32: 1>} : vector<8x8192xi32>
    %broadcast_in_dim3A = arith.constant 0x7F800000 : f32
    %broadcast_in_dim3A_8 = vector.broadcast %broadcast_in_dim3A : f32 to vector<8x8192xf32>
    %broadcast_in_dim3A_9 = arith.constant 0 : i32
    %broadcast_in_dim3A_10 = vector.broadcast %broadcast_in_dim3A_9 : i32 to vector<8x1xi32>
    %scan3A = arith.constant 0 : i32
    %scan3A_11 = arith.constant 128 : i32
    %scan3A_12 = arith.addi %scan3A, %scan3A_11 : i32
    %scan3A_13 = arith.constant 1 : i32
    %scan3A_14:2 = scf.for %scan3A_16 = %scan3A to %scan3A_12 step %scan3A_13 iter_args(%scan3A_17 = %broadcast_in_dim3A_8, %scan3A_18 = %broadcast_in_dim3A_10) -> (vector<8x8192xf32>, vector<8x1xi32>)  : i32 {
      %mul3A = arith.constant 4 : i32
      %mul3A_19 = arith.muli %scan3A_16, %mul3A : i32
      %add3A = arith.constant 0 : i32
      %add3A_20 = arith.addi %mul3A_19, %add3A : i32
      %eq3A = vector.broadcast %scan3A_18 : vector<8x1xi32> to vector<8x8192xi32>
      %eq3A_21 = arith.cmpi eq, %iota3A, %eq3A : vector<8x8192xi32>
      %jit3A = arith.constant 0.000000e+00 : f32
      %broadcast_in_dim3A_22 = vector.broadcast %jit3A : f32 to vector<8x8192xf32>
      %select_n3A = arith.select %eq3A_21, %get3A_1, %broadcast_in_dim3A_22 : vector<8x8192xi1>, vector<8x8192xf32>
      %reduce_sum3A = arith.constant dense<0.000000e+00> : vector<8xf32>
      %reduce_sum3A_23 = vector.multi_reduction <add>, %select_n3A, %reduce_sum3A [1] : vector<8x8192xf32> to vector<8xf32>
      %broadcast_in_dim3A_24 = vector.shape_cast %reduce_sum3A_23 : vector<8xf32> to vector<8x1xf32>
      %jit3A_25 = arith.constant 0.000000e+00 : f32
      %broadcast_in_dim3A_26 = vector.broadcast %jit3A_25 : f32 to vector<8x8192xf32>
      %select_n3A_27 = arith.select %eq3A_21, %get3A_4, %broadcast_in_dim3A_26 : vector<8x8192xi1>, vector<8x8192xf32>
      %reduce_sum3A_28 = arith.constant dense<0.000000e+00> : vector<8xf32>
      %reduce_sum3A_29 = vector.multi_reduction <add>, %select_n3A_27, %reduce_sum3A_28 [1] : vector<8x8192xf32> to vector<8xf32>
      %broadcast_in_dim3A_30 = vector.shape_cast %reduce_sum3A_29 : vector<8xf32> to vector<8x1xf32>
      %jit3A_31 = arith.constant 0.000000e+00 : f32
      %broadcast_in_dim3A_32 = vector.broadcast %jit3A_31 : f32 to vector<8x8192xf32>
      %select_n3A_33 = arith.select %eq3A_21, %get3A_7, %broadcast_in_dim3A_32 : vector<8x8192xi1>, vector<8x8192xf32>
      %reduce_sum3A_34 = arith.constant dense<0.000000e+00> : vector<8xf32>
      %reduce_sum3A_35 = vector.multi_reduction <add>, %select_n3A_33, %reduce_sum3A_34 [1] : vector<8x8192xf32> to vector<8xf32>
      %broadcast_in_dim3A_36 = vector.shape_cast %reduce_sum3A_35 : vector<8xf32> to vector<8x1xf32>
      %concatenate3A = tpu.concatenate %broadcast_in_dim3A_24, %broadcast_in_dim3A_30, %broadcast_in_dim3A_36 in 1 : vector<8x1xf32>, vector<8x1xf32>, vector<8x1xf32> -> vector<8x3xf32>
      %reshape3A = vector.shape_cast %concatenate3A : vector<8x3xf32> to vector<1x8x3xf32>
      %swap3A = arith.index_cast %add3A_20 : i32 to index
      %swap3A_37 = arith.constant 0 : index
      %swap3A_38 = arith.constant 0 : index
      %swap3A_39 = vector.load %arg3[%swap3A, %swap3A_37, %swap3A_38] : memref<512x8x3xf32, #tpu.memory_space<vmem>>, vector<1x8x3xf32>
      tpu.vector_store %arg3[%swap3A, %swap3A_37, %swap3A_38], %reshape3A {strides = array<i32>} : memref<512x8x3xf32, #tpu.memory_space<vmem>>, vector<1x8x3xf32>,
      %sub3A = vector.broadcast %broadcast_in_dim3A_24 : vector<8x1xf32> to vector<8x8192xf32>
      %sub3A_40 = arith.subf %get3A_1, %sub3A : vector<8x8192xf32>
      %sub3A_41 = vector.broadcast %broadcast_in_dim3A_30 : vector<8x1xf32> to vector<8x8192xf32>
      %sub3A_42 = arith.subf %get3A_4, %sub3A_41 : vector<8x8192xf32>
      %sub3A_43 = vector.broadcast %broadcast_in_dim3A_36 : vector<8x1xf32> to vector<8x8192xf32>
      %sub3A_44 = arith.subf %get3A_7, %sub3A_43 : vector<8x8192xf32>
      %mul3A_45 = arith.mulf %sub3A_40, %sub3A_40 : vector<8x8192xf32>
      %mul3A_46 = arith.mulf %sub3A_42, %sub3A_42 : vector<8x8192xf32>
      %add3A_47 = arith.addf %mul3A_45, %mul3A_46 : vector<8x8192xf32>
      %mul3A_48 = arith.mulf %sub3A_44, %sub3A_44 : vector<8x8192xf32>
      %add3A_49 = arith.addf %add3A_47, %mul3A_48 : vector<8x8192xf32>
      %min3A = arith.minimumf %scan3A_17, %add3A_49 : vector<8x8192xf32>
      %reduce_max3A = arith.constant dense<0xFF800000> : vector<8xf32>
      %reduce_max3A_50 = vector.multi_reduction <maximumf>, %min3A, %reduce_max3A [1] : vector<8x8192xf32> to vector<8xf32>
      %broadcast_in_dim3A_51 = vector.shape_cast %reduce_max3A_50 : vector<8xf32> to vector<8x1xf32>
      %eq3A_52 = vector.broadcast %broadcast_in_dim3A_51 : vector<8x1xf32> to vector<8x8192xf32>
      %eq3A_53 = arith.cmpf oeq, %min3A, %eq3A_52 : vector<8x8192xf32>
      %jit3A_54 = arith.constant 8192 : i32
      %broadcast_in_dim3A_55 = vector.broadcast %jit3A_54 : i32 to vector<8x8192xi32>
      %select_n3A_56 = arith.select %eq3A_53, %iota3A, %broadcast_in_dim3A_55 : vector<8x8192xi1>, vector<8x8192xi32>
      %reduce_min3A = arith.constant dense<2147483647> : vector<8xi32>
      %reduce_min3A_57 = vector.multi_reduction <minsi>, %select_n3A_56, %reduce_min3A [1] : vector<8x8192xi32> to vector<8xi32>
      %broadcast_in_dim3A_58 = vector.shape_cast %reduce_min3A_57 : vector<8xi32> to vector<8x1xi32>
      %add3A_59 = arith.constant 1 : i32
      %add3A_60 = arith.addi %mul3A_19, %add3A_59 : i32
      %eq3A_61 = vector.broadcast %broadcast_in_dim3A_58 : vector<8x1xi32> to vector<8x8192xi32>
      %eq3A_62 = arith.cmpi eq, %iota3A, %eq3A_61 : vector<8x8192xi32>
      %jit3A_63 = arith.constant 0.000000e+00 : f32
      %broadcast_in_dim3A_64 = vector.broadcast %jit3A_63 : f32 to vector<8x8192xf32>
      %select_n3A_65 = arith.select %eq3A_62, %get3A_1, %broadcast_in_dim3A_64 : vector<8x8192xi1>, vector<8x8192xf32>
      %reduce_sum3A_66 = arith.constant dense<0.000000e+00> : vector<8xf32>
      %reduce_sum3A_67 = vector.multi_reduction <add>, %select_n3A_65, %reduce_sum3A_66 [1] : vector<8x8192xf32> to vector<8xf32>
      %broadcast_in_dim3A_68 = vector.shape_cast %reduce_sum3A_67 : vector<8xf32> to vector<8x1xf32>
      %jit3A_69 = arith.constant 0.000000e+00 : f32
      %broadcast_in_dim3A_70 = vector.broadcast %jit3A_69 : f32 to vector<8x8192xf32>
      %select_n3A_71 = arith.select %eq3A_62, %get3A_4, %broadcast_in_dim3A_70 : vector<8x8192xi1>, vector<8x8192xf32>
      %reduce_sum3A_72 = arith.constant dense<0.000000e+00> : vector<8xf32>
      %reduce_sum3A_73 = vector.multi_reduction <add>, %select_n3A_71, %reduce_sum3A_72 [1] : vector<8x8192xf32> to vector<8xf32>
      %broadcast_in_dim3A_74 = vector.shape_cast %reduce_sum3A_73 : vector<8xf32> to vector<8x1xf32>
      %jit3A_75 = arith.constant 0.000000e+00 : f32
      %broadcast_in_dim3A_76 = vector.broadcast %jit3A_75 : f32 to vector<8x8192xf32>
      %select_n3A_77 = arith.select %eq3A_62, %get3A_7, %broadcast_in_dim3A_76 : vector<8x8192xi1>, vector<8x8192xf32>
      %reduce_sum3A_78 = arith.constant dense<0.000000e+00> : vector<8xf32>
      %reduce_sum3A_79 = vector.multi_reduction <add>, %select_n3A_77, %reduce_sum3A_78 [1] : vector<8x8192xf32> to vector<8xf32>
      %broadcast_in_dim3A_80 = vector.shape_cast %reduce_sum3A_79 : vector<8xf32> to vector<8x1xf32>
      %concatenate3A_81 = tpu.concatenate %broadcast_in_dim3A_68, %broadcast_in_dim3A_74, %broadcast_in_dim3A_80 in 1 : vector<8x1xf32>, vector<8x1xf32>, vector<8x1xf32> -> vector<8x3xf32>
      %reshape3A_82 = vector.shape_cast %concatenate3A_81 : vector<8x3xf32> to vector<1x8x3xf32>
      %swap3A_83 = arith.index_cast %add3A_60 : i32 to index
      %swap3A_84 = arith.constant 0 : index
      %swap3A_85 = arith.constant 0 : index
      %swap3A_86 = vector.load %arg3[%swap3A_83, %swap3A_84, %swap3A_85] : memref<512x8x3xf32, #tpu.memory_space<vmem>>, vector<1x8x3xf32>
      tpu.vector_store %arg3[%swap3A_83, %swap3A_84, %swap3A_85], %reshape3A_82 {strides = array<i32>} : memref<512x8x3xf32, #tpu.memory_space<vmem>>, vector<1x8x3xf32>,
      %sub3A_87 = vector.broadcast %broadcast_in_dim3A_68 : vector<8x1xf32> to vector<8x8192xf32>
      %sub3A_88 = arith.subf %get3A_1, %sub3A_87 : vector<8x8192xf32>
      %sub3A_89 = vector.broadcast %broadcast_in_dim3A_74 : vector<8x1xf32> to vector<8x8192xf32>
      %sub3A_90 = arith.subf %get3A_4, %sub3A_89 : vector<8x8192xf32>
      %sub3A_91 = vector.broadcast %broadcast_in_dim3A_80 : vector<8x1xf32> to vector<8x8192xf32>
      %sub3A_92 = arith.subf %get3A_7, %sub3A_91 : vector<8x8192xf32>
      %mul3A_93 = arith.mulf %sub3A_88, %sub3A_88 : vector<8x8192xf32>
      %mul3A_94 = arith.mulf %sub3A_90, %sub3A_90 : vector<8x8192xf32>
      %add3A_95 = arith.addf %mul3A_93, %mul3A_94 : vector<8x8192xf32>
      %mul3A_96 = arith.mulf %sub3A_92, %sub3A_92 : vector<8x8192xf32>
      %add3A_97 = arith.addf %add3A_95, %mul3A_96 : vector<8x8192xf32>
      %min3A_98 = arith.minimumf %min3A, %add3A_97 : vector<8x8192xf32>
      %reduce_max3A_99 = arith.constant dense<0xFF800000> : vector<8xf32>
      %reduce_max3A_100 = vector.multi_reduction <maximumf>, %min3A_98, %reduce_max3A_99 [1] : vector<8x8192xf32> to vector<8xf32>
      %broadcast_in_dim3A_101 = vector.shape_cast %reduce_max3A_100 : vector<8xf32> to vector<8x1xf32>
      %eq3A_102 = vector.broadcast %broadcast_in_dim3A_101 : vector<8x1xf32> to vector<8x8192xf32>
      %eq3A_103 = arith.cmpf oeq, %min3A_98, %eq3A_102 : vector<8x8192xf32>
      %jit3A_104 = arith.constant 8192 : i32
      %broadcast_in_dim3A_105 = vector.broadcast %jit3A_104 : i32 to vector<8x8192xi32>
      %select_n3A_106 = arith.select %eq3A_103, %iota3A, %broadcast_in_dim3A_105 : vector<8x8192xi1>, vector<8x8192xi32>
      %reduce_min3A_107 = arith.constant dense<2147483647> : vector<8xi32>
      %reduce_min3A_108 = vector.multi_reduction <minsi>, %select_n3A_106, %reduce_min3A_107 [1] : vector<8x8192xi32> to vector<8xi32>
      %broadcast_in_dim3A_109 = vector.shape_cast %reduce_min3A_108 : vector<8xi32> to vector<8x1xi32>
      %add3A_110 = arith.constant 2 : i32
      %add3A_111 = arith.addi %mul3A_19, %add3A_110 : i32
      %eq3A_112 = vector.broadcast %broadcast_in_dim3A_109 : vector<8x1xi32> to vector<8x8192xi32>
      %eq3A_113 = arith.cmpi eq, %iota3A, %eq3A_112 : vector<8x8192xi32>
      %jit3A_114 = arith.constant 0.000000e+00 : f32
      %broadcast_in_dim3A_115 = vector.broadcast %jit3A_114 : f32 to vector<8x8192xf32>
      %select_n3A_116 = arith.select %eq3A_113, %get3A_1, %broadcast_in_dim3A_115 : vector<8x8192xi1>, vector<8x8192xf32>
      %reduce_sum3A_117 = arith.constant dense<0.000000e+00> : vector<8xf32>
      %reduce_sum3A_118 = vector.multi_reduction <add>, %select_n3A_116, %reduce_sum3A_117 [1] : vector<8x8192xf32> to vector<8xf32>
      %broadcast_in_dim3A_119 = vector.shape_cast %reduce_sum3A_118 : vector<8xf32> to vector<8x1xf32>
      %jit3A_120 = arith.constant 0.000000e+00 : f32
      %broadcast_in_dim3A_121 = vector.broadcast %jit3A_120 : f32 to vector<8x8192xf32>
      %select_n3A_122 = arith.select %eq3A_113, %get3A_4, %broadcast_in_dim3A_121 : vector<8x8192xi1>, vector<8x8192xf32>
      %reduce_sum3A_123 = arith.constant dense<0.000000e+00> : vector<8xf32>
      %reduce_sum3A_124 = vector.multi_reduction <add>, %select_n3A_122, %reduce_sum3A_123 [1] : vector<8x8192xf32> to vector<8xf32>
      %broadcast_in_dim3A_125 = vector.shape_cast %reduce_sum3A_124 : vector<8xf32> to vector<8x1xf32>
      %jit3A_126 = arith.constant 0.000000e+00 : f32
      %broadcast_in_dim3A_127 = vector.broadcast %jit3A_126 : f32 to vector<8x8192xf32>
      %select_n3A_128 = arith.select %eq3A_113, %get3A_7, %broadcast_in_dim3A_127 : vector<8x8192xi1>, vector<8x8192xf32>
      %reduce_sum3A_129 = arith.constant dense<0.000000e+00> : vector<8xf32>
      %reduce_sum3A_130 = vector.multi_reduction <add>, %select_n3A_128, %reduce_sum3A_129 [1] : vector<8x8192xf32> to vector<8xf32>
      %broadcast_in_dim3A_131 = vector.shape_cast %reduce_sum3A_130 : vector<8xf32> to vector<8x1xf32>
      %concatenate3A_132 = tpu.concatenate %broadcast_in_dim3A_119, %broadcast_in_dim3A_125, %broadcast_in_dim3A_131 in 1 : vector<8x1xf32>, vector<8x1xf32>, vector<8x1xf32> -> vector<8x3xf32>
      %reshape3A_133 = vector.shape_cast %concatenate3A_132 : vector<8x3xf32> to vector<1x8x3xf32>
      %swap3A_134 = arith.index_cast %add3A_111 : i32 to index
      %swap3A_135 = arith.constant 0 : index
      %swap3A_136 = arith.constant 0 : index
      %swap3A_137 = vector.load %arg3[%swap3A_134, %swap3A_135, %swap3A_136] : memref<512x8x3xf32, #tpu.memory_space<vmem>>, vector<1x8x3xf32>
      tpu.vector_store %arg3[%swap3A_134, %swap3A_135, %swap3A_136], %reshape3A_133 {strides = array<i32>} : memref<512x8x3xf32, #tpu.memory_space<vmem>>, vector<1x8x3xf32>,
      %sub3A_138 = vector.broadcast %broadcast_in_dim3A_119 : vector<8x1xf32> to vector<8x8192xf32>
      %sub3A_139 = arith.subf %get3A_1, %sub3A_138 : vector<8x8192xf32>
      %sub3A_140 = vector.broadcast %broadcast_in_dim3A_125 : vector<8x1xf32> to vector<8x8192xf32>
      %sub3A_141 = arith.subf %get3A_4, %sub3A_140 : vector<8x8192xf32>
      %sub3A_142 = vector.broadcast %broadcast_in_dim3A_131 : vector<8x1xf32> to vector<8x8192xf32>
      %sub3A_143 = arith.subf %get3A_7, %sub3A_142 : vector<8x8192xf32>
      %mul3A_144 = arith.mulf %sub3A_139, %sub3A_139 : vector<8x8192xf32>
      %mul3A_145 = arith.mulf %sub3A_141, %sub3A_141 : vector<8x8192xf32>
      %add3A_146 = arith.addf %mul3A_144, %mul3A_145 : vector<8x8192xf32>
      %mul3A_147 = arith.mulf %sub3A_143, %sub3A_143 : vector<8x8192xf32>
      %add3A_148 = arith.addf %add3A_146, %mul3A_147 : vector<8x8192xf32>
      %min3A_149 = arith.minimumf %min3A_98, %add3A_148 : vector<8x8192xf32>
      %reduce_max3A_150 = arith.constant dense<0xFF800000> : vector<8xf32>
      %reduce_max3A_151 = vector.multi_reduction <maximumf>, %min3A_149, %reduce_max3A_150 [1] : vector<8x8192xf32> to vector<8xf32>
      %broadcast_in_dim3A_152 = vector.shape_cast %reduce_max3A_151 : vector<8xf32> to vector<8x1xf32>
      %eq3A_153 = vector.broadcast %broadcast_in_dim3A_152 : vector<8x1xf32> to vector<8x8192xf32>
      %eq3A_154 = arith.cmpf oeq, %min3A_149, %eq3A_153 : vector<8x8192xf32>
      %jit3A_155 = arith.constant 8192 : i32
      %broadcast_in_dim3A_156 = vector.broadcast %jit3A_155 : i32 to vector<8x8192xi32>
      %select_n3A_157 = arith.select %eq3A_154, %iota3A, %broadcast_in_dim3A_156 : vector<8x8192xi1>, vector<8x8192xi32>
      %reduce_min3A_158 = arith.constant dense<2147483647> : vector<8xi32>
      %reduce_min3A_159 = vector.multi_reduction <minsi>, %select_n3A_157, %reduce_min3A_158 [1] : vector<8x8192xi32> to vector<8xi32>
      %broadcast_in_dim3A_160 = vector.shape_cast %reduce_min3A_159 : vector<8xi32> to vector<8x1xi32>
      %add3A_161 = arith.constant 3 : i32
      %add3A_162 = arith.addi %mul3A_19, %add3A_161 : i32
      %eq3A_163 = vector.broadcast %broadcast_in_dim3A_160 : vector<8x1xi32> to vector<8x8192xi32>
      %eq3A_164 = arith.cmpi eq, %iota3A, %eq3A_163 : vector<8x8192xi32>
      %jit3A_165 = arith.constant 0.000000e+00 : f32
      %broadcast_in_dim3A_166 = vector.broadcast %jit3A_165 : f32 to vector<8x8192xf32>
      %select_n3A_167 = arith.select %eq3A_164, %get3A_1, %broadcast_in_dim3A_166 : vector<8x8192xi1>, vector<8x8192xf32>
      %reduce_sum3A_168 = arith.constant dense<0.000000e+00> : vector<8xf32>
      %reduce_sum3A_169 = vector.multi_reduction <add>, %select_n3A_167, %reduce_sum3A_168 [1] : vector<8x8192xf32> to vector<8xf32>
      %broadcast_in_dim3A_170 = vector.shape_cast %reduce_sum3A_169 : vector<8xf32> to vector<8x1xf32>
      %jit3A_171 = arith.constant 0.000000e+00 : f32
      %broadcast_in_dim3A_172 = vector.broadcast %jit3A_171 : f32 to vector<8x8192xf32>
      %select_n3A_173 = arith.select %eq3A_164, %get3A_4, %broadcast_in_dim3A_172 : vector<8x8192xi1>, vector<8x8192xf32>
      %reduce_sum3A_174 = arith.constant dense<0.000000e+00> : vector<8xf32>
      %reduce_sum3A_175 = vector.multi_reduction <add>, %select_n3A_173, %reduce_sum3A_174 [1] : vector<8x8192xf32> to vector<8xf32>
      %broadcast_in_dim3A_176 = vector.shape_cast %reduce_sum3A_175 : vector<8xf32> to vector<8x1xf32>
      %jit3A_177 = arith.constant 0.000000e+00 : f32
      %broadcast_in_dim3A_178 = vector.broadcast %jit3A_177 : f32 to vector<8x8192xf32>
      %select_n3A_179 = arith.select %eq3A_164, %get3A_7, %broadcast_in_dim3A_178 : vector<8x8192xi1>, vector<8x8192xf32>
      %reduce_sum3A_180 = arith.constant dense<0.000000e+00> : vector<8xf32>
      %reduce_sum3A_181 = vector.multi_reduction <add>, %select_n3A_179, %reduce_sum3A_180 [1] : vector<8x8192xf32> to vector<8xf32>
      %broadcast_in_dim3A_182 = vector.shape_cast %reduce_sum3A_181 : vector<8xf32> to vector<8x1xf32>
      %concatenate3A_183 = tpu.concatenate %broadcast_in_dim3A_170, %broadcast_in_dim3A_176, %broadcast_in_dim3A_182 in 1 : vector<8x1xf32>, vector<8x1xf32>, vector<8x1xf32> -> vector<8x3xf32>
      %reshape3A_184 = vector.shape_cast %concatenate3A_183 : vector<8x3xf32> to vector<1x8x3xf32>
      %swap3A_185 = arith.index_cast %add3A_162 : i32 to index
      %swap3A_186 = arith.constant 0 : index
      %swap3A_187 = arith.constant 0 : index
      %swap3A_188 = vector.load %arg3[%swap3A_185, %swap3A_186, %swap3A_187] : memref<512x8x3xf32, #tpu.memory_space<vmem>>, vector<1x8x3xf32>
      tpu.vector_store %arg3[%swap3A_185, %swap3A_186, %swap3A_187], %reshape3A_184 {strides = array<i32>} : memref<512x8x3xf32, #tpu.memory_space<vmem>>, vector<1x8x3xf32>,
      %sub3A_189 = vector.broadcast %broadcast_in_dim3A_170 : vector<8x1xf32> to vector<8x8192xf32>
      %sub3A_190 = arith.subf %get3A_1, %sub3A_189 : vector<8x8192xf32>
      %sub3A_191 = vector.broadcast %broadcast_in_dim3A_176 : vector<8x1xf32> to vector<8x8192xf32>
      %sub3A_192 = arith.subf %get3A_4, %sub3A_191 : vector<8x8192xf32>
      %sub3A_193 = vector.broadcast %broadcast_in_dim3A_182 : vector<8x1xf32> to vector<8x8192xf32>
      %sub3A_194 = arith.subf %get3A_7, %sub3A_193 : vector<8x8192xf32>
      %mul3A_195 = arith.mulf %sub3A_190, %sub3A_190 : vector<8x8192xf32>
      %mul3A_196 = arith.mulf %sub3A_192, %sub3A_192 : vector<8x8192xf32>
      %add3A_197 = arith.addf %mul3A_195, %mul3A_196 : vector<8x8192xf32>
      %mul3A_198 = arith.mulf %sub3A_194, %sub3A_194 : vector<8x8192xf32>
      %add3A_199 = arith.addf %add3A_197, %mul3A_198 : vector<8x8192xf32>
      %min3A_200 = arith.minimumf %min3A_149, %add3A_199 : vector<8x8192xf32>
      %reduce_max3A_201 = arith.constant dense<0xFF800000> : vector<8xf32>
      %reduce_max3A_202 = vector.multi_reduction <maximumf>, %min3A_200, %reduce_max3A_201 [1] : vector<8x8192xf32> to vector<8xf32>
      %broadcast_in_dim3A_203 = vector.shape_cast %reduce_max3A_202 : vector<8xf32> to vector<8x1xf32>
      %eq3A_204 = vector.broadcast %broadcast_in_dim3A_203 : vector<8x1xf32> to vector<8x8192xf32>
      %eq3A_205 = arith.cmpf oeq, %min3A_200, %eq3A_204 : vector<8x8192xf32>
      %jit3A_206 = arith.constant 8192 : i32
      %broadcast_in_dim3A_207 = vector.broadcast %jit3A_206 : i32 to vector<8x8192xi32>
      %select_n3A_208 = arith.select %eq3A_205, %iota3A, %broadcast_in_dim3A_207 : vector<8x8192xi1>, vector<8x8192xi32>
      %reduce_min3A_209 = arith.constant dense<2147483647> : vector<8xi32>
      %reduce_min3A_210 = vector.multi_reduction <minsi>, %select_n3A_208, %reduce_min3A_209 [1] : vector<8x8192xi32> to vector<8xi32>
      %broadcast_in_dim3A_211 = vector.shape_cast %reduce_min3A_210 : vector<8xi32> to vector<8x1xi32>
      scf.yield %min3A_200, %broadcast_in_dim3A_211 : vector<8x8192xf32>, vector<8x1xi32>
    }
    %scan3A_15 = arith.constant 128 : i32
    return
  }
}

module attributes {stable_mosaic.version = 14 : i64} {
  func.func @_knn_kernel(%arg0: i32, %arg1: i32, %arg2: memref<1x1x8192xf32, #tpu.memory_space<vmem>>, %arg3: memref<1x1x8192xf32, #tpu.memory_space<vmem>>, %arg4: memref<1x1x8192xf32, #tpu.memory_space<vmem>>, %arg5: memref<1x128x3xf32, #tpu.memory_space<vmem>>, %arg6: memref<1x128x32xi32, #tpu.memory_space<vmem>>) attributes {dimension_semantics = [#tpu.dimension_semantics<arbitrary>, #tpu.dimension_semantics<arbitrary>], iteration_bounds = array<i64: 8, 4>, scalar_prefetch = 0 : i64, scratch_operands = 0 : i64, tpu.core_type = #tpu.core_type<tc>, window_params = [{transform_indices = @transform_0, window_bounds = array<i64: 1, 1, 8192>}, {transform_indices = @transform_1, window_bounds = array<i64: 1, 1, 8192>}, {transform_indices = @transform_2, window_bounds = array<i64: 1, 1, 8192>}, {transform_indices = @transform_3, window_bounds = array<i64: 1, 128, 3>}, {transform_indices = @transform_4, window_bounds = array<i64: 1, 128, 32>}]} {
    %get3A = arith.constant 0 : index
    %get3A_0 = arith.constant 0 : index
    %get3A_1 = arith.constant 0 : index
    %get3A_2 = vector.load %arg2[%get3A, %get3A_0, %get3A_1] : memref<1x1x8192xf32, #tpu.memory_space<vmem>>, vector<1x1x8192xf32>
    %get3A_3 = vector.shape_cast %get3A_2 : vector<1x1x8192xf32> to vector<1x8192xf32>
    %get3A_4 = arith.constant 0 : index
    %get3A_5 = arith.constant 0 : index
    %get3A_6 = arith.constant 0 : index
    %get3A_7 = vector.load %arg3[%get3A_4, %get3A_5, %get3A_6] : memref<1x1x8192xf32, #tpu.memory_space<vmem>>, vector<1x1x8192xf32>
    %get3A_8 = vector.shape_cast %get3A_7 : vector<1x1x8192xf32> to vector<1x8192xf32>
    %get3A_9 = arith.constant 0 : index
    %get3A_10 = arith.constant 0 : index
    %get3A_11 = arith.constant 0 : index
    %get3A_12 = vector.load %arg4[%get3A_9, %get3A_10, %get3A_11] : memref<1x1x8192xf32, #tpu.memory_space<vmem>>, vector<1x1x8192xf32>
    %get3A_13 = vector.shape_cast %get3A_12 : vector<1x1x8192xf32> to vector<1x8192xf32>
    %get3A_14 = arith.constant 0 : index
    %get3A_15 = arith.constant 0 : index
    %get3A_16 = arith.constant 0 : index
    %get3A_17 = vector.load %arg5[%get3A_14, %get3A_15, %get3A_16] : memref<1x128x3xf32, #tpu.memory_space<vmem>>, vector<1x128x1xf32>
    %get3A_18 = vector.shape_cast %get3A_17 : vector<1x128x1xf32> to vector<128x1xf32>
    %get3A_19 = arith.constant 0 : index
    %get3A_20 = arith.constant 0 : index
    %get3A_21 = arith.constant 1 : index
    %get3A_22 = vector.load %arg5[%get3A_19, %get3A_20, %get3A_21] : memref<1x128x3xf32, #tpu.memory_space<vmem>>, vector<1x128x1xf32>
    %get3A_23 = vector.shape_cast %get3A_22 : vector<1x128x1xf32> to vector<128x1xf32>
    %get3A_24 = arith.constant 0 : index
    %get3A_25 = arith.constant 0 : index
    %get3A_26 = arith.constant 2 : index
    %get3A_27 = vector.load %arg5[%get3A_24, %get3A_25, %get3A_26] : memref<1x128x3xf32, #tpu.memory_space<vmem>>, vector<1x128x1xf32>
    %get3A_28 = vector.shape_cast %get3A_27 : vector<1x128x1xf32> to vector<128x1xf32>
    %sub3A = vector.broadcast %get3A_18 : vector<128x1xf32> to vector<128x8192xf32>
    %sub3A_29 = vector.broadcast %get3A_3 : vector<1x8192xf32> to vector<128x8192xf32>
    %sub3A_30 = arith.subf %sub3A, %sub3A_29 : vector<128x8192xf32>
    %sub3A_31 = vector.broadcast %get3A_23 : vector<128x1xf32> to vector<128x8192xf32>
    %sub3A_32 = vector.broadcast %get3A_8 : vector<1x8192xf32> to vector<128x8192xf32>
    %sub3A_33 = arith.subf %sub3A_31, %sub3A_32 : vector<128x8192xf32>
    %sub3A_34 = vector.broadcast %get3A_28 : vector<128x1xf32> to vector<128x8192xf32>
    %sub3A_35 = vector.broadcast %get3A_13 : vector<1x8192xf32> to vector<128x8192xf32>
    %sub3A_36 = arith.subf %sub3A_34, %sub3A_35 : vector<128x8192xf32>
    %mul3A = arith.mulf %sub3A_30, %sub3A_30 : vector<128x8192xf32>
    %mul3A_37 = arith.mulf %sub3A_33, %sub3A_33 : vector<128x8192xf32>
    %add3A = arith.addf %mul3A, %mul3A_37 : vector<128x8192xf32>
    %mul3A_38 = arith.mulf %sub3A_36, %sub3A_36 : vector<128x8192xf32>
    %add3A_39 = arith.addf %add3A, %mul3A_38 : vector<128x8192xf32>
    %iota3A = tpu.iota {dimensions = array<i32: 1>} : vector<128x8192xi32>
    %mul3A_40 = arith.constant 8192 : i32
    %mul3A_41 = arith.muli %arg0, %mul3A_40 : i32
    %reduce_min3A = arith.constant dense<0x7F800000> : vector<128xf32>
    %reduce_min3A_42 = vector.multi_reduction <minimumf>, %add3A_39, %reduce_min3A [1] : vector<128x8192xf32> to vector<128xf32>
    %broadcast_in_dim3A = vector.shape_cast %reduce_min3A_42 : vector<128xf32> to vector<128x1xf32>
    %eq3A = vector.broadcast %broadcast_in_dim3A : vector<128x1xf32> to vector<128x8192xf32>
    %eq3A_43 = arith.cmpf oeq, %add3A_39, %eq3A : vector<128x8192xf32>
    %jit3A = arith.constant 8192 : i32
    %broadcast_in_dim3A_44 = vector.broadcast %jit3A : i32 to vector<128x8192xi32>
    %select_n3A = arith.select %eq3A_43, %iota3A, %broadcast_in_dim3A_44 : vector<128x8192xi1>, vector<128x8192xi32>
    %reduce_min3A_45 = arith.constant dense<2147483647> : vector<128xi32>
    %reduce_min3A_46 = vector.multi_reduction <minsi>, %select_n3A, %reduce_min3A_45 [1] : vector<128x8192xi32> to vector<128xi32>
    %broadcast_in_dim3A_47 = vector.shape_cast %reduce_min3A_46 : vector<128xi32> to vector<128x1xi32>
    %add3A_48 = vector.broadcast %mul3A_41 : i32 to vector<128x1xi32>
    %add3A_49 = arith.addi %broadcast_in_dim3A_47, %add3A_48 : vector<128x1xi32>
    %swap3A = arith.constant 0 : index
    %swap3A_50 = arith.constant 0 : index
    %swap3A_51 = arith.constant 0 : index
    %swap3A_52 = vector.load %arg6[%swap3A, %swap3A_50, %swap3A_51] : memref<1x128x32xi32, #tpu.memory_space<vmem>>, vector<1x128x1xi32>
    %swap3A_53 = vector.shape_cast %swap3A_52 : vector<1x128x1xi32> to vector<128x1xi32>
    %swap3A_54 = vector.shape_cast %add3A_49 : vector<128x1xi32> to vector<1x128x1xi32>
    tpu.vector_store %arg6[%swap3A, %swap3A_50, %swap3A_51], %swap3A_54 {strides = array<i32>} : memref<1x128x32xi32, #tpu.memory_space<vmem>>, vector<1x128x1xi32>,
    %eq3A_55 = vector.broadcast %broadcast_in_dim3A_47 : vector<128x1xi32> to vector<128x8192xi32>
    %eq3A_56 = arith.cmpi eq, %iota3A, %eq3A_55 : vector<128x8192xi32>
    %jit3A_57 = arith.constant 0x7F800000 : f32
    %broadcast_in_dim3A_58 = vector.broadcast %jit3A_57 : f32 to vector<128x8192xf32>
    %select_n3A_59 = arith.select %eq3A_56, %broadcast_in_dim3A_58, %add3A_39 : vector<128x8192xi1>, vector<128x8192xf32>
    %reduce_min3A_60 = arith.constant dense<0x7F800000> : vector<128xf32>
    %reduce_min3A_61 = vector.multi_reduction <minimumf>, %select_n3A_59, %reduce_min3A_60 [1] : vector<128x8192xf32> to vector<128xf32>
    %broadcast_in_dim3A_62 = vector.shape_cast %reduce_min3A_61 : vector<128xf32> to vector<128x1xf32>
    %eq3A_63 = vector.broadcast %broadcast_in_dim3A_62 : vector<128x1xf32> to vector<128x8192xf32>
    %eq3A_64 = arith.cmpf oeq, %select_n3A_59, %eq3A_63 : vector<128x8192xf32>
    %jit3A_65 = arith.constant 8192 : i32
    %broadcast_in_dim3A_66 = vector.broadcast %jit3A_65 : i32 to vector<128x8192xi32>
    %select_n3A_67 = arith.select %eq3A_64, %iota3A, %broadcast_in_dim3A_66 : vector<128x8192xi1>, vector<128x8192xi32>
    %reduce_min3A_68 = arith.constant dense<2147483647> : vector<128xi32>
    %reduce_min3A_69 = vector.multi_reduction <minsi>, %select_n3A_67, %reduce_min3A_68 [1] : vector<128x8192xi32> to vector<128xi32>
    %broadcast_in_dim3A_70 = vector.shape_cast %reduce_min3A_69 : vector<128xi32> to vector<128x1xi32>
    %add3A_71 = vector.broadcast %mul3A_41 : i32 to vector<128x1xi32>
    %add3A_72 = arith.addi %broadcast_in_dim3A_70, %add3A_71 : vector<128x1xi32>
    %swap3A_73 = arith.constant 0 : index
    %swap3A_74 = arith.constant 0 : index
    %swap3A_75 = arith.constant 1 : index
    %swap3A_76 = vector.load %arg6[%swap3A_73, %swap3A_74, %swap3A_75] : memref<1x128x32xi32, #tpu.memory_space<vmem>>, vector<1x128x1xi32>
    %swap3A_77 = vector.shape_cast %swap3A_76 : vector<1x128x1xi32> to vector<128x1xi32>
    %swap3A_78 = vector.shape_cast %add3A_72 : vector<128x1xi32> to vector<1x128x1xi32>
    tpu.vector_store %arg6[%swap3A_73, %swap3A_74, %swap3A_75], %swap3A_78 {strides = array<i32>} : memref<1x128x32xi32, #tpu.memory_space<vmem>>, vector<1x128x1xi32>,
    %eq3A_79 = vector.broadcast %broadcast_in_dim3A_70 : vector<128x1xi32> to vector<128x8192xi32>
    %eq3A_80 = arith.cmpi eq, %iota3A, %eq3A_79 : vector<128x8192xi32>
    %jit3A_81 = arith.constant 0x7F800000 : f32
    %broadcast_in_dim3A_82 = vector.broadcast %jit3A_81 : f32 to vector<128x8192xf32>
    %select_n3A_83 = arith.select %eq3A_80, %broadcast_in_dim3A_82, %select_n3A_59 : vector<128x8192xi1>, vector<128x8192xf32>
    %reduce_min3A_84 = arith.constant dense<0x7F800000> : vector<128xf32>
    %reduce_min3A_85 = vector.multi_reduction <minimumf>, %select_n3A_83, %reduce_min3A_84 [1] : vector<128x8192xf32> to vector<128xf32>
    %broadcast_in_dim3A_86 = vector.shape_cast %reduce_min3A_85 : vector<128xf32> to vector<128x1xf32>
    %eq3A_87 = vector.broadcast %broadcast_in_dim3A_86 : vector<128x1xf32> to vector<128x8192xf32>
    %eq3A_88 = arith.cmpf oeq, %select_n3A_83, %eq3A_87 : vector<128x8192xf32>
    %jit3A_89 = arith.constant 8192 : i32
    %broadcast_in_dim3A_90 = vector.broadcast %jit3A_89 : i32 to vector<128x8192xi32>
    %select_n3A_91 = arith.select %eq3A_88, %iota3A, %broadcast_in_dim3A_90 : vector<128x8192xi1>, vector<128x8192xi32>
    %reduce_min3A_92 = arith.constant dense<2147483647> : vector<128xi32>
    %reduce_min3A_93 = vector.multi_reduction <minsi>, %select_n3A_91, %reduce_min3A_92 [1] : vector<128x8192xi32> to vector<128xi32>
    %broadcast_in_dim3A_94 = vector.shape_cast %reduce_min3A_93 : vector<128xi32> to vector<128x1xi32>
    %add3A_95 = vector.broadcast %mul3A_41 : i32 to vector<128x1xi32>
    %add3A_96 = arith.addi %broadcast_in_dim3A_94, %add3A_95 : vector<128x1xi32>
    %swap3A_97 = arith.constant 0 : index
    %swap3A_98 = arith.constant 0 : index
    %swap3A_99 = arith.constant 2 : index
    %swap3A_100 = vector.load %arg6[%swap3A_97, %swap3A_98, %swap3A_99] : memref<1x128x32xi32, #tpu.memory_space<vmem>>, vector<1x128x1xi32>
    %swap3A_101 = vector.shape_cast %swap3A_100 : vector<1x128x1xi32> to vector<128x1xi32>
    %swap3A_102 = vector.shape_cast %add3A_96 : vector<128x1xi32> to vector<1x128x1xi32>
    tpu.vector_store %arg6[%swap3A_97, %swap3A_98, %swap3A_99], %swap3A_102 {strides = array<i32>} : memref<1x128x32xi32, #tpu.memory_space<vmem>>, vector<1x128x1xi32>,
    %eq3A_103 = vector.broadcast %broadcast_in_dim3A_94 : vector<128x1xi32> to vector<128x8192xi32>
    %eq3A_104 = arith.cmpi eq, %iota3A, %eq3A_103 : vector<128x8192xi32>
    %jit3A_105 = arith.constant 0x7F800000 : f32
    %broadcast_in_dim3A_106 = vector.broadcast %jit3A_105 : f32 to vector<128x8192xf32>
    %select_n3A_107 = arith.select %eq3A_104, %broadcast_in_dim3A_106, %select_n3A_83 : vector<128x8192xi1>, vector<128x8192xf32>
    %reduce_min3A_108 = arith.constant dense<0x7F800000> : vector<128xf32>
    %reduce_min3A_109 = vector.multi_reduction <minimumf>, %select_n3A_107, %reduce_min3A_108 [1] : vector<128x8192xf32> to vector<128xf32>
    %broadcast_in_dim3A_110 = vector.shape_cast %reduce_min3A_109 : vector<128xf32> to vector<128x1xf32>
    %eq3A_111 = vector.broadcast %broadcast_in_dim3A_110 : vector<128x1xf32> to vector<128x8192xf32>
    %eq3A_112 = arith.cmpf oeq, %select_n3A_107, %eq3A_111 : vector<128x8192xf32>
    %jit3A_113 = arith.constant 8192 : i32
    %broadcast_in_dim3A_114 = vector.broadcast %jit3A_113 : i32 to vector<128x8192xi32>
    %select_n3A_115 = arith.select %eq3A_112, %iota3A, %broadcast_in_dim3A_114 : vector<128x8192xi1>, vector<128x8192xi32>
    %reduce_min3A_116 = arith.constant dense<2147483647> : vector<128xi32>
    %reduce_min3A_117 = vector.multi_reduction <minsi>, %select_n3A_115, %reduce_min3A_116 [1] : vector<128x8192xi32> to vector<128xi32>
    %broadcast_in_dim3A_118 = vector.shape_cast %reduce_min3A_117 : vector<128xi32> to vector<128x1xi32>
    %add3A_119 = vector.broadcast %mul3A_41 : i32 to vector<128x1xi32>
    %add3A_120 = arith.addi %broadcast_in_dim3A_118, %add3A_119 : vector<128x1xi32>
    %swap3A_121 = arith.constant 0 : index
    %swap3A_122 = arith.constant 0 : index
    %swap3A_123 = arith.constant 3 : index
    %swap3A_124 = vector.load %arg6[%swap3A_121, %swap3A_122, %swap3A_123] : memref<1x128x32xi32, #tpu.memory_space<vmem>>, vector<1x128x1xi32>
    %swap3A_125 = vector.shape_cast %swap3A_124 : vector<1x128x1xi32> to vector<128x1xi32>
    %swap3A_126 = vector.shape_cast %add3A_120 : vector<128x1xi32> to vector<1x128x1xi32>
    tpu.vector_store %arg6[%swap3A_121, %swap3A_122, %swap3A_123], %swap3A_126 {strides = array<i32>} : memref<1x128x32xi32, #tpu.memory_space<vmem>>, vector<1x128x1xi32>,
    %eq3A_127 = vector.broadcast %broadcast_in_dim3A_118 : vector<128x1xi32> to vector<128x8192xi32>
    %eq3A_128 = arith.cmpi eq, %iota3A, %eq3A_127 : vector<128x8192xi32>
    %jit3A_129 = arith.constant 0x7F800000 : f32
    %broadcast_in_dim3A_130 = vector.broadcast %jit3A_129 : f32 to vector<128x8192xf32>
    %select_n3A_131 = arith.select %eq3A_128, %broadcast_in_dim3A_130, %select_n3A_107 : vector<128x8192xi1>, vector<128x8192xf32>
    %reduce_min3A_132 = arith.constant dense<0x7F800000> : vector<128xf32>
    %reduce_min3A_133 = vector.multi_reduction <minimumf>, %select_n3A_131, %reduce_min3A_132 [1] : vector<128x8192xf32> to vector<128xf32>
    %broadcast_in_dim3A_134 = vector.shape_cast %reduce_min3A_133 : vector<128xf32> to vector<128x1xf32>
    %eq3A_135 = vector.broadcast %broadcast_in_dim3A_134 : vector<128x1xf32> to vector<128x8192xf32>
    %eq3A_136 = arith.cmpf oeq, %select_n3A_131, %eq3A_135 : vector<128x8192xf32>
    %jit3A_137 = arith.constant 8192 : i32
    %broadcast_in_dim3A_138 = vector.broadcast %jit3A_137 : i32 to vector<128x8192xi32>
    %select_n3A_139 = arith.select %eq3A_136, %iota3A, %broadcast_in_dim3A_138 : vector<128x8192xi1>, vector<128x8192xi32>
    %reduce_min3A_140 = arith.constant dense<2147483647> : vector<128xi32>
    %reduce_min3A_141 = vector.multi_reduction <minsi>, %select_n3A_139, %reduce_min3A_140 [1] : vector<128x8192xi32> to vector<128xi32>
    %broadcast_in_dim3A_142 = vector.shape_cast %reduce_min3A_141 : vector<128xi32> to vector<128x1xi32>
    %add3A_143 = vector.broadcast %mul3A_41 : i32 to vector<128x1xi32>
    %add3A_144 = arith.addi %broadcast_in_dim3A_142, %add3A_143 : vector<128x1xi32>
    %swap3A_145 = arith.constant 0 : index
    %swap3A_146 = arith.constant 0 : index
    %swap3A_147 = arith.constant 4 : index
    %swap3A_148 = vector.load %arg6[%swap3A_145, %swap3A_146, %swap3A_147] : memref<1x128x32xi32, #tpu.memory_space<vmem>>, vector<1x128x1xi32>
    %swap3A_149 = vector.shape_cast %swap3A_148 : vector<1x128x1xi32> to vector<128x1xi32>
    %swap3A_150 = vector.shape_cast %add3A_144 : vector<128x1xi32> to vector<1x128x1xi32>
    tpu.vector_store %arg6[%swap3A_145, %swap3A_146, %swap3A_147], %swap3A_150 {strides = array<i32>} : memref<1x128x32xi32, #tpu.memory_space<vmem>>, vector<1x128x1xi32>,
    %eq3A_151 = vector.broadcast %broadcast_in_dim3A_142 : vector<128x1xi32> to vector<128x8192xi32>
    %eq3A_152 = arith.cmpi eq, %iota3A, %eq3A_151 : vector<128x8192xi32>
    %jit3A_153 = arith.constant 0x7F800000 : f32
    %broadcast_in_dim3A_154 = vector.broadcast %jit3A_153 : f32 to vector<128x8192xf32>
    %select_n3A_155 = arith.select %eq3A_152, %broadcast_in_dim3A_154, %select_n3A_131 : vector<128x8192xi1>, vector<128x8192xf32>
    %reduce_min3A_156 = arith.constant dense<0x7F800000> : vector<128xf32>
    %reduce_min3A_157 = vector.multi_reduction <minimumf>, %select_n3A_155, %reduce_min3A_156 [1] : vector<128x8192xf32> to vector<128xf32>
    %broadcast_in_dim3A_158 = vector.shape_cast %reduce_min3A_157 : vector<128xf32> to vector<128x1xf32>
    %eq3A_159 = vector.broadcast %broadcast_in_dim3A_158 : vector<128x1xf32> to vector<128x8192xf32>
    %eq3A_160 = arith.cmpf oeq, %select_n3A_155, %eq3A_159 : vector<128x8192xf32>
    %jit3A_161 = arith.constant 8192 : i32
    %broadcast_in_dim3A_162 = vector.broadcast %jit3A_161 : i32 to vector<128x8192xi32>
    %select_n3A_163 = arith.select %eq3A_160, %iota3A, %broadcast_in_dim3A_162 : vector<128x8192xi1>, vector<128x8192xi32>
    %reduce_min3A_164 = arith.constant dense<2147483647> : vector<128xi32>
    %reduce_min3A_165 = vector.multi_reduction <minsi>, %select_n3A_163, %reduce_min3A_164 [1] : vector<128x8192xi32> to vector<128xi32>
    %broadcast_in_dim3A_166 = vector.shape_cast %reduce_min3A_165 : vector<128xi32> to vector<128x1xi32>
    %add3A_167 = vector.broadcast %mul3A_41 : i32 to vector<128x1xi32>
    %add3A_168 = arith.addi %broadcast_in_dim3A_166, %add3A_167 : vector<128x1xi32>
    %swap3A_169 = arith.constant 0 : index
    %swap3A_170 = arith.constant 0 : index
    %swap3A_171 = arith.constant 5 : index
    %swap3A_172 = vector.load %arg6[%swap3A_169, %swap3A_170, %swap3A_171] : memref<1x128x32xi32, #tpu.memory_space<vmem>>, vector<1x128x1xi32>
    %swap3A_173 = vector.shape_cast %swap3A_172 : vector<1x128x1xi32> to vector<128x1xi32>
    %swap3A_174 = vector.shape_cast %add3A_168 : vector<128x1xi32> to vector<1x128x1xi32>
    tpu.vector_store %arg6[%swap3A_169, %swap3A_170, %swap3A_171], %swap3A_174 {strides = array<i32>} : memref<1x128x32xi32, #tpu.memory_space<vmem>>, vector<1x128x1xi32>,
    %eq3A_175 = vector.broadcast %broadcast_in_dim3A_166 : vector<128x1xi32> to vector<128x8192xi32>
    %eq3A_176 = arith.cmpi eq, %iota3A, %eq3A_175 : vector<128x8192xi32>
    %jit3A_177 = arith.constant 0x7F800000 : f32
    %broadcast_in_dim3A_178 = vector.broadcast %jit3A_177 : f32 to vector<128x8192xf32>
    %select_n3A_179 = arith.select %eq3A_176, %broadcast_in_dim3A_178, %select_n3A_155 : vector<128x8192xi1>, vector<128x8192xf32>
    %reduce_min3A_180 = arith.constant dense<0x7F800000> : vector<128xf32>
    %reduce_min3A_181 = vector.multi_reduction <minimumf>, %select_n3A_179, %reduce_min3A_180 [1] : vector<128x8192xf32> to vector<128xf32>
    %broadcast_in_dim3A_182 = vector.shape_cast %reduce_min3A_181 : vector<128xf32> to vector<128x1xf32>
    %eq3A_183 = vector.broadcast %broadcast_in_dim3A_182 : vector<128x1xf32> to vector<128x8192xf32>
    %eq3A_184 = arith.cmpf oeq, %select_n3A_179, %eq3A_183 : vector<128x8192xf32>
    %jit3A_185 = arith.constant 8192 : i32
    %broadcast_in_dim3A_186 = vector.broadcast %jit3A_185 : i32 to vector<128x8192xi32>
    %select_n3A_187 = arith.select %eq3A_184, %iota3A, %broadcast_in_dim3A_186 : vector<128x8192xi1>, vector<128x8192xi32>
    %reduce_min3A_188 = arith.constant dense<2147483647> : vector<128xi32>
    %reduce_min3A_189 = vector.multi_reduction <minsi>, %select_n3A_187, %reduce_min3A_188 [1] : vector<128x8192xi32> to vector<128xi32>
    %broadcast_in_dim3A_190 = vector.shape_cast %reduce_min3A_189 : vector<128xi32> to vector<128x1xi32>
    %add3A_191 = vector.broadcast %mul3A_41 : i32 to vector<128x1xi32>
    %add3A_192 = arith.addi %broadcast_in_dim3A_190, %add3A_191 : vector<128x1xi32>
    %swap3A_193 = arith.constant 0 : index
    %swap3A_194 = arith.constant 0 : index
    %swap3A_195 = arith.constant 6 : index
    %swap3A_196 = vector.load %arg6[%swap3A_193, %swap3A_194, %swap3A_195] : memref<1x128x32xi32, #tpu.memory_space<vmem>>, vector<1x128x1xi32>
    %swap3A_197 = vector.shape_cast %swap3A_196 : vector<1x128x1xi32> to vector<128x1xi32>
    %swap3A_198 = vector.shape_cast %add3A_192 : vector<128x1xi32> to vector<1x128x1xi32>
    tpu.vector_store %arg6[%swap3A_193, %swap3A_194, %swap3A_195], %swap3A_198 {strides = array<i32>} : memref<1x128x32xi32, #tpu.memory_space<vmem>>, vector<1x128x1xi32>,
    %eq3A_199 = vector.broadcast %broadcast_in_dim3A_190 : vector<128x1xi32> to vector<128x8192xi32>
    %eq3A_200 = arith.cmpi eq, %iota3A, %eq3A_199 : vector<128x8192xi32>
    %jit3A_201 = arith.constant 0x7F800000 : f32
    %broadcast_in_dim3A_202 = vector.broadcast %jit3A_201 : f32 to vector<128x8192xf32>
    %select_n3A_203 = arith.select %eq3A_200, %broadcast_in_dim3A_202, %select_n3A_179 : vector<128x8192xi1>, vector<128x8192xf32>
    %reduce_min3A_204 = arith.constant dense<0x7F800000> : vector<128xf32>
    %reduce_min3A_205 = vector.multi_reduction <minimumf>, %select_n3A_203, %reduce_min3A_204 [1] : vector<128x8192xf32> to vector<128xf32>
    %broadcast_in_dim3A_206 = vector.shape_cast %reduce_min3A_205 : vector<128xf32> to vector<128x1xf32>
    %eq3A_207 = vector.broadcast %broadcast_in_dim3A_206 : vector<128x1xf32> to vector<128x8192xf32>
    %eq3A_208 = arith.cmpf oeq, %select_n3A_203, %eq3A_207 : vector<128x8192xf32>
    %jit3A_209 = arith.constant 8192 : i32
    %broadcast_in_dim3A_210 = vector.broadcast %jit3A_209 : i32 to vector<128x8192xi32>
    %select_n3A_211 = arith.select %eq3A_208, %iota3A, %broadcast_in_dim3A_210 : vector<128x8192xi1>, vector<128x8192xi32>
    %reduce_min3A_212 = arith.constant dense<2147483647> : vector<128xi32>
    %reduce_min3A_213 = vector.multi_reduction <minsi>, %select_n3A_211, %reduce_min3A_212 [1] : vector<128x8192xi32> to vector<128xi32>
    %broadcast_in_dim3A_214 = vector.shape_cast %reduce_min3A_213 : vector<128xi32> to vector<128x1xi32>
    %add3A_215 = vector.broadcast %mul3A_41 : i32 to vector<128x1xi32>
    %add3A_216 = arith.addi %broadcast_in_dim3A_214, %add3A_215 : vector<128x1xi32>
    %swap3A_217 = arith.constant 0 : index
    %swap3A_218 = arith.constant 0 : index
    %swap3A_219 = arith.constant 7 : index
    %swap3A_220 = vector.load %arg6[%swap3A_217, %swap3A_218, %swap3A_219] : memref<1x128x32xi32, #tpu.memory_space<vmem>>, vector<1x128x1xi32>
    %swap3A_221 = vector.shape_cast %swap3A_220 : vector<1x128x1xi32> to vector<128x1xi32>
    %swap3A_222 = vector.shape_cast %add3A_216 : vector<128x1xi32> to vector<1x128x1xi32>
    tpu.vector_store %arg6[%swap3A_217, %swap3A_218, %swap3A_219], %swap3A_222 {strides = array<i32>} : memref<1x128x32xi32, #tpu.memory_space<vmem>>, vector<1x128x1xi32>,
    %eq3A_223 = vector.broadcast %broadcast_in_dim3A_214 : vector<128x1xi32> to vector<128x8192xi32>
    %eq3A_224 = arith.cmpi eq, %iota3A, %eq3A_223 : vector<128x8192xi32>
    %jit3A_225 = arith.constant 0x7F800000 : f32
    %broadcast_in_dim3A_226 = vector.broadcast %jit3A_225 : f32 to vector<128x8192xf32>
    %select_n3A_227 = arith.select %eq3A_224, %broadcast_in_dim3A_226, %select_n3A_203 : vector<128x8192xi1>, vector<128x8192xf32>
    %reduce_min3A_228 = arith.constant dense<0x7F800000> : vector<128xf32>
    %reduce_min3A_229 = vector.multi_reduction <minimumf>, %select_n3A_227, %reduce_min3A_228 [1] : vector<128x8192xf32> to vector<128xf32>
    %broadcast_in_dim3A_230 = vector.shape_cast %reduce_min3A_229 : vector<128xf32> to vector<128x1xf32>
    %eq3A_231 = vector.broadcast %broadcast_in_dim3A_230 : vector<128x1xf32> to vector<128x8192xf32>
    %eq3A_232 = arith.cmpf oeq, %select_n3A_227, %eq3A_231 : vector<128x8192xf32>
    %jit3A_233 = arith.constant 8192 : i32
    %broadcast_in_dim3A_234 = vector.broadcast %jit3A_233 : i32 to vector<128x8192xi32>
    %select_n3A_235 = arith.select %eq3A_232, %iota3A, %broadcast_in_dim3A_234 : vector<128x8192xi1>, vector<128x8192xi32>
    %reduce_min3A_236 = arith.constant dense<2147483647> : vector<128xi32>
    %reduce_min3A_237 = vector.multi_reduction <minsi>, %select_n3A_235, %reduce_min3A_236 [1] : vector<128x8192xi32> to vector<128xi32>
    %broadcast_in_dim3A_238 = vector.shape_cast %reduce_min3A_237 : vector<128xi32> to vector<128x1xi32>
    %add3A_239 = vector.broadcast %mul3A_41 : i32 to vector<128x1xi32>
    %add3A_240 = arith.addi %broadcast_in_dim3A_238, %add3A_239 : vector<128x1xi32>
    %swap3A_241 = arith.constant 0 : index
    %swap3A_242 = arith.constant 0 : index
    %swap3A_243 = arith.constant 8 : index
    %swap3A_244 = vector.load %arg6[%swap3A_241, %swap3A_242, %swap3A_243] : memref<1x128x32xi32, #tpu.memory_space<vmem>>, vector<1x128x1xi32>
    %swap3A_245 = vector.shape_cast %swap3A_244 : vector<1x128x1xi32> to vector<128x1xi32>
    %swap3A_246 = vector.shape_cast %add3A_240 : vector<128x1xi32> to vector<1x128x1xi32>
    tpu.vector_store %arg6[%swap3A_241, %swap3A_242, %swap3A_243], %swap3A_246 {strides = array<i32>} : memref<1x128x32xi32, #tpu.memory_space<vmem>>, vector<1x128x1xi32>,
    %eq3A_247 = vector.broadcast %broadcast_in_dim3A_238 : vector<128x1xi32> to vector<128x8192xi32>
    %eq3A_248 = arith.cmpi eq, %iota3A, %eq3A_247 : vector<128x8192xi32>
    %jit3A_249 = arith.constant 0x7F800000 : f32
    %broadcast_in_dim3A_250 = vector.broadcast %jit3A_249 : f32 to vector<128x8192xf32>
    %select_n3A_251 = arith.select %eq3A_248, %broadcast_in_dim3A_250, %select_n3A_227 : vector<128x8192xi1>, vector<128x8192xf32>
    %reduce_min3A_252 = arith.constant dense<0x7F800000> : vector<128xf32>
    %reduce_min3A_253 = vector.multi_reduction <minimumf>, %select_n3A_251, %reduce_min3A_252 [1] : vector<128x8192xf32> to vector<128xf32>
    %broadcast_in_dim3A_254 = vector.shape_cast %reduce_min3A_253 : vector<128xf32> to vector<128x1xf32>
    %eq3A_255 = vector.broadcast %broadcast_in_dim3A_254 : vector<128x1xf32> to vector<128x8192xf32>
    %eq3A_256 = arith.cmpf oeq, %select_n3A_251, %eq3A_255 : vector<128x8192xf32>
    %jit3A_257 = arith.constant 8192 : i32
    %broadcast_in_dim3A_258 = vector.broadcast %jit3A_257 : i32 to vector<128x8192xi32>
    %select_n3A_259 = arith.select %eq3A_256, %iota3A, %broadcast_in_dim3A_258 : vector<128x8192xi1>, vector<128x8192xi32>
    %reduce_min3A_260 = arith.constant dense<2147483647> : vector<128xi32>
    %reduce_min3A_261 = vector.multi_reduction <minsi>, %select_n3A_259, %reduce_min3A_260 [1] : vector<128x8192xi32> to vector<128xi32>
    %broadcast_in_dim3A_262 = vector.shape_cast %reduce_min3A_261 : vector<128xi32> to vector<128x1xi32>
    %add3A_263 = vector.broadcast %mul3A_41 : i32 to vector<128x1xi32>
    %add3A_264 = arith.addi %broadcast_in_dim3A_262, %add3A_263 : vector<128x1xi32>
    %swap3A_265 = arith.constant 0 : index
    %swap3A_266 = arith.constant 0 : index
    %swap3A_267 = arith.constant 9 : index
    %swap3A_268 = vector.load %arg6[%swap3A_265, %swap3A_266, %swap3A_267] : memref<1x128x32xi32, #tpu.memory_space<vmem>>, vector<1x128x1xi32>
    %swap3A_269 = vector.shape_cast %swap3A_268 : vector<1x128x1xi32> to vector<128x1xi32>
    %swap3A_270 = vector.shape_cast %add3A_264 : vector<128x1xi32> to vector<1x128x1xi32>
    tpu.vector_store %arg6[%swap3A_265, %swap3A_266, %swap3A_267], %swap3A_270 {strides = array<i32>} : memref<1x128x32xi32, #tpu.memory_space<vmem>>, vector<1x128x1xi32>,
    %eq3A_271 = vector.broadcast %broadcast_in_dim3A_262 : vector<128x1xi32> to vector<128x8192xi32>
    %eq3A_272 = arith.cmpi eq, %iota3A, %eq3A_271 : vector<128x8192xi32>
    %jit3A_273 = arith.constant 0x7F800000 : f32
    %broadcast_in_dim3A_274 = vector.broadcast %jit3A_273 : f32 to vector<128x8192xf32>
    %select_n3A_275 = arith.select %eq3A_272, %broadcast_in_dim3A_274, %select_n3A_251 : vector<128x8192xi1>, vector<128x8192xf32>
    %reduce_min3A_276 = arith.constant dense<0x7F800000> : vector<128xf32>
    %reduce_min3A_277 = vector.multi_reduction <minimumf>, %select_n3A_275, %reduce_min3A_276 [1] : vector<128x8192xf32> to vector<128xf32>
    %broadcast_in_dim3A_278 = vector.shape_cast %reduce_min3A_277 : vector<128xf32> to vector<128x1xf32>
    %eq3A_279 = vector.broadcast %broadcast_in_dim3A_278 : vector<128x1xf32> to vector<128x8192xf32>
    %eq3A_280 = arith.cmpf oeq, %select_n3A_275, %eq3A_279 : vector<128x8192xf32>
    %jit3A_281 = arith.constant 8192 : i32
    %broadcast_in_dim3A_282 = vector.broadcast %jit3A_281 : i32 to vector<128x8192xi32>
    %select_n3A_283 = arith.select %eq3A_280, %iota3A, %broadcast_in_dim3A_282 : vector<128x8192xi1>, vector<128x8192xi32>
    %reduce_min3A_284 = arith.constant dense<2147483647> : vector<128xi32>
    %reduce_min3A_285 = vector.multi_reduction <minsi>, %select_n3A_283, %reduce_min3A_284 [1] : vector<128x8192xi32> to vector<128xi32>
    %broadcast_in_dim3A_286 = vector.shape_cast %reduce_min3A_285 : vector<128xi32> to vector<128x1xi32>
    %add3A_287 = vector.broadcast %mul3A_41 : i32 to vector<128x1xi32>
    %add3A_288 = arith.addi %broadcast_in_dim3A_286, %add3A_287 : vector<128x1xi32>
    %swap3A_289 = arith.constant 0 : index
    %swap3A_290 = arith.constant 0 : index
    %swap3A_291 = arith.constant 10 : index
    %swap3A_292 = vector.load %arg6[%swap3A_289, %swap3A_290, %swap3A_291] : memref<1x128x32xi32, #tpu.memory_space<vmem>>, vector<1x128x1xi32>
    %swap3A_293 = vector.shape_cast %swap3A_292 : vector<1x128x1xi32> to vector<128x1xi32>
    %swap3A_294 = vector.shape_cast %add3A_288 : vector<128x1xi32> to vector<1x128x1xi32>
    tpu.vector_store %arg6[%swap3A_289, %swap3A_290, %swap3A_291], %swap3A_294 {strides = array<i32>} : memref<1x128x32xi32, #tpu.memory_space<vmem>>, vector<1x128x1xi32>,
    %eq3A_295 = vector.broadcast %broadcast_in_dim3A_286 : vector<128x1xi32> to vector<128x8192xi32>
    %eq3A_296 = arith.cmpi eq, %iota3A, %eq3A_295 : vector<128x8192xi32>
    %jit3A_297 = arith.constant 0x7F800000 : f32
    %broadcast_in_dim3A_298 = vector.broadcast %jit3A_297 : f32 to vector<128x8192xf32>
    %select_n3A_299 = arith.select %eq3A_296, %broadcast_in_dim3A_298, %select_n3A_275 : vector<128x8192xi1>, vector<128x8192xf32>
    %reduce_min3A_300 = arith.constant dense<0x7F800000> : vector<128xf32>
    %reduce_min3A_301 = vector.multi_reduction <minimumf>, %select_n3A_299, %reduce_min3A_300 [1] : vector<128x8192xf32> to vector<128xf32>
    %broadcast_in_dim3A_302 = vector.shape_cast %reduce_min3A_301 : vector<128xf32> to vector<128x1xf32>
    %eq3A_303 = vector.broadcast %broadcast_in_dim3A_302 : vector<128x1xf32> to vector<128x8192xf32>
    %eq3A_304 = arith.cmpf oeq, %select_n3A_299, %eq3A_303 : vector<128x8192xf32>
    %jit3A_305 = arith.constant 8192 : i32
    %broadcast_in_dim3A_306 = vector.broadcast %jit3A_305 : i32 to vector<128x8192xi32>
    %select_n3A_307 = arith.select %eq3A_304, %iota3A, %broadcast_in_dim3A_306 : vector<128x8192xi1>, vector<128x8192xi32>
    %reduce_min3A_308 = arith.constant dense<2147483647> : vector<128xi32>
    %reduce_min3A_309 = vector.multi_reduction <minsi>, %select_n3A_307, %reduce_min3A_308 [1] : vector<128x8192xi32> to vector<128xi32>
    %broadcast_in_dim3A_310 = vector.shape_cast %reduce_min3A_309 : vector<128xi32> to vector<128x1xi32>
    %add3A_311 = vector.broadcast %mul3A_41 : i32 to vector<128x1xi32>
    %add3A_312 = arith.addi %broadcast_in_dim3A_310, %add3A_311 : vector<128x1xi32>
    %swap3A_313 = arith.constant 0 : index
    %swap3A_314 = arith.constant 0 : index
    %swap3A_315 = arith.constant 11 : index
    %swap3A_316 = vector.load %arg6[%swap3A_313, %swap3A_314, %swap3A_315] : memref<1x128x32xi32, #tpu.memory_space<vmem>>, vector<1x128x1xi32>
    %swap3A_317 = vector.shape_cast %swap3A_316 : vector<1x128x1xi32> to vector<128x1xi32>
    %swap3A_318 = vector.shape_cast %add3A_312 : vector<128x1xi32> to vector<1x128x1xi32>
    tpu.vector_store %arg6[%swap3A_313, %swap3A_314, %swap3A_315], %swap3A_318 {strides = array<i32>} : memref<1x128x32xi32, #tpu.memory_space<vmem>>, vector<1x128x1xi32>,
    %eq3A_319 = vector.broadcast %broadcast_in_dim3A_310 : vector<128x1xi32> to vector<128x8192xi32>
    %eq3A_320 = arith.cmpi eq, %iota3A, %eq3A_319 : vector<128x8192xi32>
    %jit3A_321 = arith.constant 0x7F800000 : f32
    %broadcast_in_dim3A_322 = vector.broadcast %jit3A_321 : f32 to vector<128x8192xf32>
    %select_n3A_323 = arith.select %eq3A_320, %broadcast_in_dim3A_322, %select_n3A_299 : vector<128x8192xi1>, vector<128x8192xf32>
    %reduce_min3A_324 = arith.constant dense<0x7F800000> : vector<128xf32>
    %reduce_min3A_325 = vector.multi_reduction <minimumf>, %select_n3A_323, %reduce_min3A_324 [1] : vector<128x8192xf32> to vector<128xf32>
    %broadcast_in_dim3A_326 = vector.shape_cast %reduce_min3A_325 : vector<128xf32> to vector<128x1xf32>
    %eq3A_327 = vector.broadcast %broadcast_in_dim3A_326 : vector<128x1xf32> to vector<128x8192xf32>
    %eq3A_328 = arith.cmpf oeq, %select_n3A_323, %eq3A_327 : vector<128x8192xf32>
    %jit3A_329 = arith.constant 8192 : i32
    %broadcast_in_dim3A_330 = vector.broadcast %jit3A_329 : i32 to vector<128x8192xi32>
    %select_n3A_331 = arith.select %eq3A_328, %iota3A, %broadcast_in_dim3A_330 : vector<128x8192xi1>, vector<128x8192xi32>
    %reduce_min3A_332 = arith.constant dense<2147483647> : vector<128xi32>
    %reduce_min3A_333 = vector.multi_reduction <minsi>, %select_n3A_331, %reduce_min3A_332 [1] : vector<128x8192xi32> to vector<128xi32>
    %broadcast_in_dim3A_334 = vector.shape_cast %reduce_min3A_333 : vector<128xi32> to vector<128x1xi32>
    %add3A_335 = vector.broadcast %mul3A_41 : i32 to vector<128x1xi32>
    %add3A_336 = arith.addi %broadcast_in_dim3A_334, %add3A_335 : vector<128x1xi32>
    %swap3A_337 = arith.constant 0 : index
    %swap3A_338 = arith.constant 0 : index
    %swap3A_339 = arith.constant 12 : index
    %swap3A_340 = vector.load %arg6[%swap3A_337, %swap3A_338, %swap3A_339] : memref<1x128x32xi32, #tpu.memory_space<vmem>>, vector<1x128x1xi32>
    %swap3A_341 = vector.shape_cast %swap3A_340 : vector<1x128x1xi32> to vector<128x1xi32>
    %swap3A_342 = vector.shape_cast %add3A_336 : vector<128x1xi32> to vector<1x128x1xi32>
    tpu.vector_store %arg6[%swap3A_337, %swap3A_338, %swap3A_339], %swap3A_342 {strides = array<i32>} : memref<1x128x32xi32, #tpu.memory_space<vmem>>, vector<1x128x1xi32>,
    %eq3A_343 = vector.broadcast %broadcast_in_dim3A_334 : vector<128x1xi32> to vector<128x8192xi32>
    %eq3A_344 = arith.cmpi eq, %iota3A, %eq3A_343 : vector<128x8192xi32>
    %jit3A_345 = arith.constant 0x7F800000 : f32
    %broadcast_in_dim3A_346 = vector.broadcast %jit3A_345 : f32 to vector<128x8192xf32>
    %select_n3A_347 = arith.select %eq3A_344, %broadcast_in_dim3A_346, %select_n3A_323 : vector<128x8192xi1>, vector<128x8192xf32>
    %reduce_min3A_348 = arith.constant dense<0x7F800000> : vector<128xf32>
    %reduce_min3A_349 = vector.multi_reduction <minimumf>, %select_n3A_347, %reduce_min3A_348 [1] : vector<128x8192xf32> to vector<128xf32>
    %broadcast_in_dim3A_350 = vector.shape_cast %reduce_min3A_349 : vector<128xf32> to vector<128x1xf32>
    %eq3A_351 = vector.broadcast %broadcast_in_dim3A_350 : vector<128x1xf32> to vector<128x8192xf32>
    %eq3A_352 = arith.cmpf oeq, %select_n3A_347, %eq3A_351 : vector<128x8192xf32>
    %jit3A_353 = arith.constant 8192 : i32
    %broadcast_in_dim3A_354 = vector.broadcast %jit3A_353 : i32 to vector<128x8192xi32>
    %select_n3A_355 = arith.select %eq3A_352, %iota3A, %broadcast_in_dim3A_354 : vector<128x8192xi1>, vector<128x8192xi32>
    %reduce_min3A_356 = arith.constant dense<2147483647> : vector<128xi32>
    %reduce_min3A_357 = vector.multi_reduction <minsi>, %select_n3A_355, %reduce_min3A_356 [1] : vector<128x8192xi32> to vector<128xi32>
    %broadcast_in_dim3A_358 = vector.shape_cast %reduce_min3A_357 : vector<128xi32> to vector<128x1xi32>
    %add3A_359 = vector.broadcast %mul3A_41 : i32 to vector<128x1xi32>
    %add3A_360 = arith.addi %broadcast_in_dim3A_358, %add3A_359 : vector<128x1xi32>
    %swap3A_361 = arith.constant 0 : index
    %swap3A_362 = arith.constant 0 : index
    %swap3A_363 = arith.constant 13 : index
    %swap3A_364 = vector.load %arg6[%swap3A_361, %swap3A_362, %swap3A_363] : memref<1x128x32xi32, #tpu.memory_space<vmem>>, vector<1x128x1xi32>
    %swap3A_365 = vector.shape_cast %swap3A_364 : vector<1x128x1xi32> to vector<128x1xi32>
    %swap3A_366 = vector.shape_cast %add3A_360 : vector<128x1xi32> to vector<1x128x1xi32>
    tpu.vector_store %arg6[%swap3A_361, %swap3A_362, %swap3A_363], %swap3A_366 {strides = array<i32>} : memref<1x128x32xi32, #tpu.memory_space<vmem>>, vector<1x128x1xi32>,
    %eq3A_367 = vector.broadcast %broadcast_in_dim3A_358 : vector<128x1xi32> to vector<128x8192xi32>
    %eq3A_368 = arith.cmpi eq, %iota3A, %eq3A_367 : vector<128x8192xi32>
    %jit3A_369 = arith.constant 0x7F800000 : f32
    %broadcast_in_dim3A_370 = vector.broadcast %jit3A_369 : f32 to vector<128x8192xf32>
    %select_n3A_371 = arith.select %eq3A_368, %broadcast_in_dim3A_370, %select_n3A_347 : vector<128x8192xi1>, vector<128x8192xf32>
    %reduce_min3A_372 = arith.constant dense<0x7F800000> : vector<128xf32>
    %reduce_min3A_373 = vector.multi_reduction <minimumf>, %select_n3A_371, %reduce_min3A_372 [1] : vector<128x8192xf32> to vector<128xf32>
    %broadcast_in_dim3A_374 = vector.shape_cast %reduce_min3A_373 : vector<128xf32> to vector<128x1xf32>
    %eq3A_375 = vector.broadcast %broadcast_in_dim3A_374 : vector<128x1xf32> to vector<128x8192xf32>
    %eq3A_376 = arith.cmpf oeq, %select_n3A_371, %eq3A_375 : vector<128x8192xf32>
    %jit3A_377 = arith.constant 8192 : i32
    %broadcast_in_dim3A_378 = vector.broadcast %jit3A_377 : i32 to vector<128x8192xi32>
    %select_n3A_379 = arith.select %eq3A_376, %iota3A, %broadcast_in_dim3A_378 : vector<128x8192xi1>, vector<128x8192xi32>
    %reduce_min3A_380 = arith.constant dense<2147483647> : vector<128xi32>
    %reduce_min3A_381 = vector.multi_reduction <minsi>, %select_n3A_379, %reduce_min3A_380 [1] : vector<128x8192xi32> to vector<128xi32>
    %broadcast_in_dim3A_382 = vector.shape_cast %reduce_min3A_381 : vector<128xi32> to vector<128x1xi32>
    %add3A_383 = vector.broadcast %mul3A_41 : i32 to vector<128x1xi32>
    %add3A_384 = arith.addi %broadcast_in_dim3A_382, %add3A_383 : vector<128x1xi32>
    %swap3A_385 = arith.constant 0 : index
    %swap3A_386 = arith.constant 0 : index
    %swap3A_387 = arith.constant 14 : index
    %swap3A_388 = vector.load %arg6[%swap3A_385, %swap3A_386, %swap3A_387] : memref<1x128x32xi32, #tpu.memory_space<vmem>>, vector<1x128x1xi32>
    %swap3A_389 = vector.shape_cast %swap3A_388 : vector<1x128x1xi32> to vector<128x1xi32>
    %swap3A_390 = vector.shape_cast %add3A_384 : vector<128x1xi32> to vector<1x128x1xi32>
    tpu.vector_store %arg6[%swap3A_385, %swap3A_386, %swap3A_387], %swap3A_390 {strides = array<i32>} : memref<1x128x32xi32, #tpu.memory_space<vmem>>, vector<1x128x1xi32>,
    %eq3A_391 = vector.broadcast %broadcast_in_dim3A_382 : vector<128x1xi32> to vector<128x8192xi32>
    %eq3A_392 = arith.cmpi eq, %iota3A, %eq3A_391 : vector<128x8192xi32>
    %jit3A_393 = arith.constant 0x7F800000 : f32
    %broadcast_in_dim3A_394 = vector.broadcast %jit3A_393 : f32 to vector<128x8192xf32>
    %select_n3A_395 = arith.select %eq3A_392, %broadcast_in_dim3A_394, %select_n3A_371 : vector<128x8192xi1>, vector<128x8192xf32>
    %reduce_min3A_396 = arith.constant dense<0x7F800000> : vector<128xf32>
    %reduce_min3A_397 = vector.multi_reduction <minimumf>, %select_n3A_395, %reduce_min3A_396 [1] : vector<128x8192xf32> to vector<128xf32>
    %broadcast_in_dim3A_398 = vector.shape_cast %reduce_min3A_397 : vector<128xf32> to vector<128x1xf32>
    %eq3A_399 = vector.broadcast %broadcast_in_dim3A_398 : vector<128x1xf32> to vector<128x8192xf32>
    %eq3A_400 = arith.cmpf oeq, %select_n3A_395, %eq3A_399 : vector<128x8192xf32>
    %jit3A_401 = arith.constant 8192 : i32
    %broadcast_in_dim3A_402 = vector.broadcast %jit3A_401 : i32 to vector<128x8192xi32>
    %select_n3A_403 = arith.select %eq3A_400, %iota3A, %broadcast_in_dim3A_402 : vector<128x8192xi1>, vector<128x8192xi32>
    %reduce_min3A_404 = arith.constant dense<2147483647> : vector<128xi32>
    %reduce_min3A_405 = vector.multi_reduction <minsi>, %select_n3A_403, %reduce_min3A_404 [1] : vector<128x8192xi32> to vector<128xi32>
    %broadcast_in_dim3A_406 = vector.shape_cast %reduce_min3A_405 : vector<128xi32> to vector<128x1xi32>
    %add3A_407 = vector.broadcast %mul3A_41 : i32 to vector<128x1xi32>
    %add3A_408 = arith.addi %broadcast_in_dim3A_406, %add3A_407 : vector<128x1xi32>
    %swap3A_409 = arith.constant 0 : index
    %swap3A_410 = arith.constant 0 : index
    %swap3A_411 = arith.constant 15 : index
    %swap3A_412 = vector.load %arg6[%swap3A_409, %swap3A_410, %swap3A_411] : memref<1x128x32xi32, #tpu.memory_space<vmem>>, vector<1x128x1xi32>
    %swap3A_413 = vector.shape_cast %swap3A_412 : vector<1x128x1xi32> to vector<128x1xi32>
    %swap3A_414 = vector.shape_cast %add3A_408 : vector<128x1xi32> to vector<1x128x1xi32>
    tpu.vector_store %arg6[%swap3A_409, %swap3A_410, %swap3A_411], %swap3A_414 {strides = array<i32>} : memref<1x128x32xi32, #tpu.memory_space<vmem>>, vector<1x128x1xi32>,
    %eq3A_415 = vector.broadcast %broadcast_in_dim3A_406 : vector<128x1xi32> to vector<128x8192xi32>
    %eq3A_416 = arith.cmpi eq, %iota3A, %eq3A_415 : vector<128x8192xi32>
    %jit3A_417 = arith.constant 0x7F800000 : f32
    %broadcast_in_dim3A_418 = vector.broadcast %jit3A_417 : f32 to vector<128x8192xf32>
    %select_n3A_419 = arith.select %eq3A_416, %broadcast_in_dim3A_418, %select_n3A_395 : vector<128x8192xi1>, vector<128x8192xf32>
    %reduce_min3A_420 = arith.constant dense<0x7F800000> : vector<128xf32>
    %reduce_min3A_421 = vector.multi_reduction <minimumf>, %select_n3A_419, %reduce_min3A_420 [1] : vector<128x8192xf32> to vector<128xf32>
    %broadcast_in_dim3A_422 = vector.shape_cast %reduce_min3A_421 : vector<128xf32> to vector<128x1xf32>
    %eq3A_423 = vector.broadcast %broadcast_in_dim3A_422 : vector<128x1xf32> to vector<128x8192xf32>
    %eq3A_424 = arith.cmpf oeq, %select_n3A_419, %eq3A_423 : vector<128x8192xf32>
    %jit3A_425 = arith.constant 8192 : i32
    %broadcast_in_dim3A_426 = vector.broadcast %jit3A_425 : i32 to vector<128x8192xi32>
    %select_n3A_427 = arith.select %eq3A_424, %iota3A, %broadcast_in_dim3A_426 : vector<128x8192xi1>, vector<128x8192xi32>
    %reduce_min3A_428 = arith.constant dense<2147483647> : vector<128xi32>
    %reduce_min3A_429 = vector.multi_reduction <minsi>, %select_n3A_427, %reduce_min3A_428 [1] : vector<128x8192xi32> to vector<128xi32>
    %broadcast_in_dim3A_430 = vector.shape_cast %reduce_min3A_429 : vector<128xi32> to vector<128x1xi32>
    %add3A_431 = vector.broadcast %mul3A_41 : i32 to vector<128x1xi32>
    %add3A_432 = arith.addi %broadcast_in_dim3A_430, %add3A_431 : vector<128x1xi32>
    %swap3A_433 = arith.constant 0 : index
    %swap3A_434 = arith.constant 0 : index
    %swap3A_435 = arith.constant 16 : index
    %swap3A_436 = vector.load %arg6[%swap3A_433, %swap3A_434, %swap3A_435] : memref<1x128x32xi32, #tpu.memory_space<vmem>>, vector<1x128x1xi32>
    %swap3A_437 = vector.shape_cast %swap3A_436 : vector<1x128x1xi32> to vector<128x1xi32>
    %swap3A_438 = vector.shape_cast %add3A_432 : vector<128x1xi32> to vector<1x128x1xi32>
    tpu.vector_store %arg6[%swap3A_433, %swap3A_434, %swap3A_435], %swap3A_438 {strides = array<i32>} : memref<1x128x32xi32, #tpu.memory_space<vmem>>, vector<1x128x1xi32>,
    %eq3A_439 = vector.broadcast %broadcast_in_dim3A_430 : vector<128x1xi32> to vector<128x8192xi32>
    %eq3A_440 = arith.cmpi eq, %iota3A, %eq3A_439 : vector<128x8192xi32>
    %jit3A_441 = arith.constant 0x7F800000 : f32
    %broadcast_in_dim3A_442 = vector.broadcast %jit3A_441 : f32 to vector<128x8192xf32>
    %select_n3A_443 = arith.select %eq3A_440, %broadcast_in_dim3A_442, %select_n3A_419 : vector<128x8192xi1>, vector<128x8192xf32>
    %reduce_min3A_444 = arith.constant dense<0x7F800000> : vector<128xf32>
    %reduce_min3A_445 = vector.multi_reduction <minimumf>, %select_n3A_443, %reduce_min3A_444 [1] : vector<128x8192xf32> to vector<128xf32>
    %broadcast_in_dim3A_446 = vector.shape_cast %reduce_min3A_445 : vector<128xf32> to vector<128x1xf32>
    %eq3A_447 = vector.broadcast %broadcast_in_dim3A_446 : vector<128x1xf32> to vector<128x8192xf32>
    %eq3A_448 = arith.cmpf oeq, %select_n3A_443, %eq3A_447 : vector<128x8192xf32>
    %jit3A_449 = arith.constant 8192 : i32
    %broadcast_in_dim3A_450 = vector.broadcast %jit3A_449 : i32 to vector<128x8192xi32>
    %select_n3A_451 = arith.select %eq3A_448, %iota3A, %broadcast_in_dim3A_450 : vector<128x8192xi1>, vector<128x8192xi32>
    %reduce_min3A_452 = arith.constant dense<2147483647> : vector<128xi32>
    %reduce_min3A_453 = vector.multi_reduction <minsi>, %select_n3A_451, %reduce_min3A_452 [1] : vector<128x8192xi32> to vector<128xi32>
    %broadcast_in_dim3A_454 = vector.shape_cast %reduce_min3A_453 : vector<128xi32> to vector<128x1xi32>
    %add3A_455 = vector.broadcast %mul3A_41 : i32 to vector<128x1xi32>
    %add3A_456 = arith.addi %broadcast_in_dim3A_454, %add3A_455 : vector<128x1xi32>
    %swap3A_457 = arith.constant 0 : index
    %swap3A_458 = arith.constant 0 : index
    %swap3A_459 = arith.constant 17 : index
    %swap3A_460 = vector.load %arg6[%swap3A_457, %swap3A_458, %swap3A_459] : memref<1x128x32xi32, #tpu.memory_space<vmem>>, vector<1x128x1xi32>
    %swap3A_461 = vector.shape_cast %swap3A_460 : vector<1x128x1xi32> to vector<128x1xi32>
    %swap3A_462 = vector.shape_cast %add3A_456 : vector<128x1xi32> to vector<1x128x1xi32>
    tpu.vector_store %arg6[%swap3A_457, %swap3A_458, %swap3A_459], %swap3A_462 {strides = array<i32>} : memref<1x128x32xi32, #tpu.memory_space<vmem>>, vector<1x128x1xi32>,
    %eq3A_463 = vector.broadcast %broadcast_in_dim3A_454 : vector<128x1xi32> to vector<128x8192xi32>
    %eq3A_464 = arith.cmpi eq, %iota3A, %eq3A_463 : vector<128x8192xi32>
    %jit3A_465 = arith.constant 0x7F800000 : f32
    %broadcast_in_dim3A_466 = vector.broadcast %jit3A_465 : f32 to vector<128x8192xf32>
    %select_n3A_467 = arith.select %eq3A_464, %broadcast_in_dim3A_466, %select_n3A_443 : vector<128x8192xi1>, vector<128x8192xf32>
    %reduce_min3A_468 = arith.constant dense<0x7F800000> : vector<128xf32>
    %reduce_min3A_469 = vector.multi_reduction <minimumf>, %select_n3A_467, %reduce_min3A_468 [1] : vector<128x8192xf32> to vector<128xf32>
    %broadcast_in_dim3A_470 = vector.shape_cast %reduce_min3A_469 : vector<128xf32> to vector<128x1xf32>
    %eq3A_471 = vector.broadcast %broadcast_in_dim3A_470 : vector<128x1xf32> to vector<128x8192xf32>
    %eq3A_472 = arith.cmpf oeq, %select_n3A_467, %eq3A_471 : vector<128x8192xf32>
    %jit3A_473 = arith.constant 8192 : i32
    %broadcast_in_dim3A_474 = vector.broadcast %jit3A_473 : i32 to vector<128x8192xi32>
    %select_n3A_475 = arith.select %eq3A_472, %iota3A, %broadcast_in_dim3A_474 : vector<128x8192xi1>, vector<128x8192xi32>
    %reduce_min3A_476 = arith.constant dense<2147483647> : vector<128xi32>
    %reduce_min3A_477 = vector.multi_reduction <minsi>, %select_n3A_475, %reduce_min3A_476 [1] : vector<128x8192xi32> to vector<128xi32>
    %broadcast_in_dim3A_478 = vector.shape_cast %reduce_min3A_477 : vector<128xi32> to vector<128x1xi32>
    %add3A_479 = vector.broadcast %mul3A_41 : i32 to vector<128x1xi32>
    %add3A_480 = arith.addi %broadcast_in_dim3A_478, %add3A_479 : vector<128x1xi32>
    %swap3A_481 = arith.constant 0 : index
    %swap3A_482 = arith.constant 0 : index
    %swap3A_483 = arith.constant 18 : index
    %swap3A_484 = vector.load %arg6[%swap3A_481, %swap3A_482, %swap3A_483] : memref<1x128x32xi32, #tpu.memory_space<vmem>>, vector<1x128x1xi32>
    %swap3A_485 = vector.shape_cast %swap3A_484 : vector<1x128x1xi32> to vector<128x1xi32>
    %swap3A_486 = vector.shape_cast %add3A_480 : vector<128x1xi32> to vector<1x128x1xi32>
    tpu.vector_store %arg6[%swap3A_481, %swap3A_482, %swap3A_483], %swap3A_486 {strides = array<i32>} : memref<1x128x32xi32, #tpu.memory_space<vmem>>, vector<1x128x1xi32>,
    %eq3A_487 = vector.broadcast %broadcast_in_dim3A_478 : vector<128x1xi32> to vector<128x8192xi32>
    %eq3A_488 = arith.cmpi eq, %iota3A, %eq3A_487 : vector<128x8192xi32>
    %jit3A_489 = arith.constant 0x7F800000 : f32
    %broadcast_in_dim3A_490 = vector.broadcast %jit3A_489 : f32 to vector<128x8192xf32>
    %select_n3A_491 = arith.select %eq3A_488, %broadcast_in_dim3A_490, %select_n3A_467 : vector<128x8192xi1>, vector<128x8192xf32>
    %reduce_min3A_492 = arith.constant dense<0x7F800000> : vector<128xf32>
    %reduce_min3A_493 = vector.multi_reduction <minimumf>, %select_n3A_491, %reduce_min3A_492 [1] : vector<128x8192xf32> to vector<128xf32>
    %broadcast_in_dim3A_494 = vector.shape_cast %reduce_min3A_493 : vector<128xf32> to vector<128x1xf32>
    %eq3A_495 = vector.broadcast %broadcast_in_dim3A_494 : vector<128x1xf32> to vector<128x8192xf32>
    %eq3A_496 = arith.cmpf oeq, %select_n3A_491, %eq3A_495 : vector<128x8192xf32>
    %jit3A_497 = arith.constant 8192 : i32
    %broadcast_in_dim3A_498 = vector.broadcast %jit3A_497 : i32 to vector<128x8192xi32>
    %select_n3A_499 = arith.select %eq3A_496, %iota3A, %broadcast_in_dim3A_498 : vector<128x8192xi1>, vector<128x8192xi32>
    %reduce_min3A_500 = arith.constant dense<2147483647> : vector<128xi32>
    %reduce_min3A_501 = vector.multi_reduction <minsi>, %select_n3A_499, %reduce_min3A_500 [1] : vector<128x8192xi32> to vector<128xi32>
    %broadcast_in_dim3A_502 = vector.shape_cast %reduce_min3A_501 : vector<128xi32> to vector<128x1xi32>
    %add3A_503 = vector.broadcast %mul3A_41 : i32 to vector<128x1xi32>
    %add3A_504 = arith.addi %broadcast_in_dim3A_502, %add3A_503 : vector<128x1xi32>
    %swap3A_505 = arith.constant 0 : index
    %swap3A_506 = arith.constant 0 : index
    %swap3A_507 = arith.constant 19 : index
    %swap3A_508 = vector.load %arg6[%swap3A_505, %swap3A_506, %swap3A_507] : memref<1x128x32xi32, #tpu.memory_space<vmem>>, vector<1x128x1xi32>
    %swap3A_509 = vector.shape_cast %swap3A_508 : vector<1x128x1xi32> to vector<128x1xi32>
    %swap3A_510 = vector.shape_cast %add3A_504 : vector<128x1xi32> to vector<1x128x1xi32>
    tpu.vector_store %arg6[%swap3A_505, %swap3A_506, %swap3A_507], %swap3A_510 {strides = array<i32>} : memref<1x128x32xi32, #tpu.memory_space<vmem>>, vector<1x128x1xi32>,
    %eq3A_511 = vector.broadcast %broadcast_in_dim3A_502 : vector<128x1xi32> to vector<128x8192xi32>
    %eq3A_512 = arith.cmpi eq, %iota3A, %eq3A_511 : vector<128x8192xi32>
    %jit3A_513 = arith.constant 0x7F800000 : f32
    %broadcast_in_dim3A_514 = vector.broadcast %jit3A_513 : f32 to vector<128x8192xf32>
    %select_n3A_515 = arith.select %eq3A_512, %broadcast_in_dim3A_514, %select_n3A_491 : vector<128x8192xi1>, vector<128x8192xf32>
    %reduce_min3A_516 = arith.constant dense<0x7F800000> : vector<128xf32>
    %reduce_min3A_517 = vector.multi_reduction <minimumf>, %select_n3A_515, %reduce_min3A_516 [1] : vector<128x8192xf32> to vector<128xf32>
    %broadcast_in_dim3A_518 = vector.shape_cast %reduce_min3A_517 : vector<128xf32> to vector<128x1xf32>
    %eq3A_519 = vector.broadcast %broadcast_in_dim3A_518 : vector<128x1xf32> to vector<128x8192xf32>
    %eq3A_520 = arith.cmpf oeq, %select_n3A_515, %eq3A_519 : vector<128x8192xf32>
    %jit3A_521 = arith.constant 8192 : i32
    %broadcast_in_dim3A_522 = vector.broadcast %jit3A_521 : i32 to vector<128x8192xi32>
    %select_n3A_523 = arith.select %eq3A_520, %iota3A, %broadcast_in_dim3A_522 : vector<128x8192xi1>, vector<128x8192xi32>
    %reduce_min3A_524 = arith.constant dense<2147483647> : vector<128xi32>
    %reduce_min3A_525 = vector.multi_reduction <minsi>, %select_n3A_523, %reduce_min3A_524 [1] : vector<128x8192xi32> to vector<128xi32>
    %broadcast_in_dim3A_526 = vector.shape_cast %reduce_min3A_525 : vector<128xi32> to vector<128x1xi32>
    %add3A_527 = vector.broadcast %mul3A_41 : i32 to vector<128x1xi32>
    %add3A_528 = arith.addi %broadcast_in_dim3A_526, %add3A_527 : vector<128x1xi32>
    %swap3A_529 = arith.constant 0 : index
    %swap3A_530 = arith.constant 0 : index
    %swap3A_531 = arith.constant 20 : index
    %swap3A_532 = vector.load %arg6[%swap3A_529, %swap3A_530, %swap3A_531] : memref<1x128x32xi32, #tpu.memory_space<vmem>>, vector<1x128x1xi32>
    %swap3A_533 = vector.shape_cast %swap3A_532 : vector<1x128x1xi32> to vector<128x1xi32>
    %swap3A_534 = vector.shape_cast %add3A_528 : vector<128x1xi32> to vector<1x128x1xi32>
    tpu.vector_store %arg6[%swap3A_529, %swap3A_530, %swap3A_531], %swap3A_534 {strides = array<i32>} : memref<1x128x32xi32, #tpu.memory_space<vmem>>, vector<1x128x1xi32>,
    %eq3A_535 = vector.broadcast %broadcast_in_dim3A_526 : vector<128x1xi32> to vector<128x8192xi32>
    %eq3A_536 = arith.cmpi eq, %iota3A, %eq3A_535 : vector<128x8192xi32>
    %jit3A_537 = arith.constant 0x7F800000 : f32
    %broadcast_in_dim3A_538 = vector.broadcast %jit3A_537 : f32 to vector<128x8192xf32>
    %select_n3A_539 = arith.select %eq3A_536, %broadcast_in_dim3A_538, %select_n3A_515 : vector<128x8192xi1>, vector<128x8192xf32>
    %reduce_min3A_540 = arith.constant dense<0x7F800000> : vector<128xf32>
    %reduce_min3A_541 = vector.multi_reduction <minimumf>, %select_n3A_539, %reduce_min3A_540 [1] : vector<128x8192xf32> to vector<128xf32>
    %broadcast_in_dim3A_542 = vector.shape_cast %reduce_min3A_541 : vector<128xf32> to vector<128x1xf32>
    %eq3A_543 = vector.broadcast %broadcast_in_dim3A_542 : vector<128x1xf32> to vector<128x8192xf32>
    %eq3A_544 = arith.cmpf oeq, %select_n3A_539, %eq3A_543 : vector<128x8192xf32>
    %jit3A_545 = arith.constant 8192 : i32
    %broadcast_in_dim3A_546 = vector.broadcast %jit3A_545 : i32 to vector<128x8192xi32>
    %select_n3A_547 = arith.select %eq3A_544, %iota3A, %broadcast_in_dim3A_546 : vector<128x8192xi1>, vector<128x8192xi32>
    %reduce_min3A_548 = arith.constant dense<2147483647> : vector<128xi32>
    %reduce_min3A_549 = vector.multi_reduction <minsi>, %select_n3A_547, %reduce_min3A_548 [1] : vector<128x8192xi32> to vector<128xi32>
    %broadcast_in_dim3A_550 = vector.shape_cast %reduce_min3A_549 : vector<128xi32> to vector<128x1xi32>
    %add3A_551 = vector.broadcast %mul3A_41 : i32 to vector<128x1xi32>
    %add3A_552 = arith.addi %broadcast_in_dim3A_550, %add3A_551 : vector<128x1xi32>
    %swap3A_553 = arith.constant 0 : index
    %swap3A_554 = arith.constant 0 : index
    %swap3A_555 = arith.constant 21 : index
    %swap3A_556 = vector.load %arg6[%swap3A_553, %swap3A_554, %swap3A_555] : memref<1x128x32xi32, #tpu.memory_space<vmem>>, vector<1x128x1xi32>
    %swap3A_557 = vector.shape_cast %swap3A_556 : vector<1x128x1xi32> to vector<128x1xi32>
    %swap3A_558 = vector.shape_cast %add3A_552 : vector<128x1xi32> to vector<1x128x1xi32>
    tpu.vector_store %arg6[%swap3A_553, %swap3A_554, %swap3A_555], %swap3A_558 {strides = array<i32>} : memref<1x128x32xi32, #tpu.memory_space<vmem>>, vector<1x128x1xi32>,
    %eq3A_559 = vector.broadcast %broadcast_in_dim3A_550 : vector<128x1xi32> to vector<128x8192xi32>
    %eq3A_560 = arith.cmpi eq, %iota3A, %eq3A_559 : vector<128x8192xi32>
    %jit3A_561 = arith.constant 0x7F800000 : f32
    %broadcast_in_dim3A_562 = vector.broadcast %jit3A_561 : f32 to vector<128x8192xf32>
    %select_n3A_563 = arith.select %eq3A_560, %broadcast_in_dim3A_562, %select_n3A_539 : vector<128x8192xi1>, vector<128x8192xf32>
    %reduce_min3A_564 = arith.constant dense<0x7F800000> : vector<128xf32>
    %reduce_min3A_565 = vector.multi_reduction <minimumf>, %select_n3A_563, %reduce_min3A_564 [1] : vector<128x8192xf32> to vector<128xf32>
    %broadcast_in_dim3A_566 = vector.shape_cast %reduce_min3A_565 : vector<128xf32> to vector<128x1xf32>
    %eq3A_567 = vector.broadcast %broadcast_in_dim3A_566 : vector<128x1xf32> to vector<128x8192xf32>
    %eq3A_568 = arith.cmpf oeq, %select_n3A_563, %eq3A_567 : vector<128x8192xf32>
    %jit3A_569 = arith.constant 8192 : i32
    %broadcast_in_dim3A_570 = vector.broadcast %jit3A_569 : i32 to vector<128x8192xi32>
    %select_n3A_571 = arith.select %eq3A_568, %iota3A, %broadcast_in_dim3A_570 : vector<128x8192xi1>, vector<128x8192xi32>
    %reduce_min3A_572 = arith.constant dense<2147483647> : vector<128xi32>
    %reduce_min3A_573 = vector.multi_reduction <minsi>, %select_n3A_571, %reduce_min3A_572 [1] : vector<128x8192xi32> to vector<128xi32>
    %broadcast_in_dim3A_574 = vector.shape_cast %reduce_min3A_573 : vector<128xi32> to vector<128x1xi32>
    %add3A_575 = vector.broadcast %mul3A_41 : i32 to vector<128x1xi32>
    %add3A_576 = arith.addi %broadcast_in_dim3A_574, %add3A_575 : vector<128x1xi32>
    %swap3A_577 = arith.constant 0 : index
    %swap3A_578 = arith.constant 0 : index
    %swap3A_579 = arith.constant 22 : index
    %swap3A_580 = vector.load %arg6[%swap3A_577, %swap3A_578, %swap3A_579] : memref<1x128x32xi32, #tpu.memory_space<vmem>>, vector<1x128x1xi32>
    %swap3A_581 = vector.shape_cast %swap3A_580 : vector<1x128x1xi32> to vector<128x1xi32>
    %swap3A_582 = vector.shape_cast %add3A_576 : vector<128x1xi32> to vector<1x128x1xi32>
    tpu.vector_store %arg6[%swap3A_577, %swap3A_578, %swap3A_579], %swap3A_582 {strides = array<i32>} : memref<1x128x32xi32, #tpu.memory_space<vmem>>, vector<1x128x1xi32>,
    %eq3A_583 = vector.broadcast %broadcast_in_dim3A_574 : vector<128x1xi32> to vector<128x8192xi32>
    %eq3A_584 = arith.cmpi eq, %iota3A, %eq3A_583 : vector<128x8192xi32>
    %jit3A_585 = arith.constant 0x7F800000 : f32
    %broadcast_in_dim3A_586 = vector.broadcast %jit3A_585 : f32 to vector<128x8192xf32>
    %select_n3A_587 = arith.select %eq3A_584, %broadcast_in_dim3A_586, %select_n3A_563 : vector<128x8192xi1>, vector<128x8192xf32>
    %reduce_min3A_588 = arith.constant dense<0x7F800000> : vector<128xf32>
    %reduce_min3A_589 = vector.multi_reduction <minimumf>, %select_n3A_587, %reduce_min3A_588 [1] : vector<128x8192xf32> to vector<128xf32>
    %broadcast_in_dim3A_590 = vector.shape_cast %reduce_min3A_589 : vector<128xf32> to vector<128x1xf32>
    %eq3A_591 = vector.broadcast %broadcast_in_dim3A_590 : vector<128x1xf32> to vector<128x8192xf32>
    %eq3A_592 = arith.cmpf oeq, %select_n3A_587, %eq3A_591 : vector<128x8192xf32>
    %jit3A_593 = arith.constant 8192 : i32
    %broadcast_in_dim3A_594 = vector.broadcast %jit3A_593 : i32 to vector<128x8192xi32>
    %select_n3A_595 = arith.select %eq3A_592, %iota3A, %broadcast_in_dim3A_594 : vector<128x8192xi1>, vector<128x8192xi32>
    %reduce_min3A_596 = arith.constant dense<2147483647> : vector<128xi32>
    %reduce_min3A_597 = vector.multi_reduction <minsi>, %select_n3A_595, %reduce_min3A_596 [1] : vector<128x8192xi32> to vector<128xi32>
    %broadcast_in_dim3A_598 = vector.shape_cast %reduce_min3A_597 : vector<128xi32> to vector<128x1xi32>
    %add3A_599 = vector.broadcast %mul3A_41 : i32 to vector<128x1xi32>
    %add3A_600 = arith.addi %broadcast_in_dim3A_598, %add3A_599 : vector<128x1xi32>
    %swap3A_601 = arith.constant 0 : index
    %swap3A_602 = arith.constant 0 : index
    %swap3A_603 = arith.constant 23 : index
    %swap3A_604 = vector.load %arg6[%swap3A_601, %swap3A_602, %swap3A_603] : memref<1x128x32xi32, #tpu.memory_space<vmem>>, vector<1x128x1xi32>
    %swap3A_605 = vector.shape_cast %swap3A_604 : vector<1x128x1xi32> to vector<128x1xi32>
    %swap3A_606 = vector.shape_cast %add3A_600 : vector<128x1xi32> to vector<1x128x1xi32>
    tpu.vector_store %arg6[%swap3A_601, %swap3A_602, %swap3A_603], %swap3A_606 {strides = array<i32>} : memref<1x128x32xi32, #tpu.memory_space<vmem>>, vector<1x128x1xi32>,
    %eq3A_607 = vector.broadcast %broadcast_in_dim3A_598 : vector<128x1xi32> to vector<128x8192xi32>
    %eq3A_608 = arith.cmpi eq, %iota3A, %eq3A_607 : vector<128x8192xi32>
    %jit3A_609 = arith.constant 0x7F800000 : f32
    %broadcast_in_dim3A_610 = vector.broadcast %jit3A_609 : f32 to vector<128x8192xf32>
    %select_n3A_611 = arith.select %eq3A_608, %broadcast_in_dim3A_610, %select_n3A_587 : vector<128x8192xi1>, vector<128x8192xf32>
    %reduce_min3A_612 = arith.constant dense<0x7F800000> : vector<128xf32>
    %reduce_min3A_613 = vector.multi_reduction <minimumf>, %select_n3A_611, %reduce_min3A_612 [1] : vector<128x8192xf32> to vector<128xf32>
    %broadcast_in_dim3A_614 = vector.shape_cast %reduce_min3A_613 : vector<128xf32> to vector<128x1xf32>
    %eq3A_615 = vector.broadcast %broadcast_in_dim3A_614 : vector<128x1xf32> to vector<128x8192xf32>
    %eq3A_616 = arith.cmpf oeq, %select_n3A_611, %eq3A_615 : vector<128x8192xf32>
    %jit3A_617 = arith.constant 8192 : i32
    %broadcast_in_dim3A_618 = vector.broadcast %jit3A_617 : i32 to vector<128x8192xi32>
    %select_n3A_619 = arith.select %eq3A_616, %iota3A, %broadcast_in_dim3A_618 : vector<128x8192xi1>, vector<128x8192xi32>
    %reduce_min3A_620 = arith.constant dense<2147483647> : vector<128xi32>
    %reduce_min3A_621 = vector.multi_reduction <minsi>, %select_n3A_619, %reduce_min3A_620 [1] : vector<128x8192xi32> to vector<128xi32>
    %broadcast_in_dim3A_622 = vector.shape_cast %reduce_min3A_621 : vector<128xi32> to vector<128x1xi32>
    %add3A_623 = vector.broadcast %mul3A_41 : i32 to vector<128x1xi32>
    %add3A_624 = arith.addi %broadcast_in_dim3A_622, %add3A_623 : vector<128x1xi32>
    %swap3A_625 = arith.constant 0 : index
    %swap3A_626 = arith.constant 0 : index
    %swap3A_627 = arith.constant 24 : index
    %swap3A_628 = vector.load %arg6[%swap3A_625, %swap3A_626, %swap3A_627] : memref<1x128x32xi32, #tpu.memory_space<vmem>>, vector<1x128x1xi32>
    %swap3A_629 = vector.shape_cast %swap3A_628 : vector<1x128x1xi32> to vector<128x1xi32>
    %swap3A_630 = vector.shape_cast %add3A_624 : vector<128x1xi32> to vector<1x128x1xi32>
    tpu.vector_store %arg6[%swap3A_625, %swap3A_626, %swap3A_627], %swap3A_630 {strides = array<i32>} : memref<1x128x32xi32, #tpu.memory_space<vmem>>, vector<1x128x1xi32>,
    %eq3A_631 = vector.broadcast %broadcast_in_dim3A_622 : vector<128x1xi32> to vector<128x8192xi32>
    %eq3A_632 = arith.cmpi eq, %iota3A, %eq3A_631 : vector<128x8192xi32>
    %jit3A_633 = arith.constant 0x7F800000 : f32
    %broadcast_in_dim3A_634 = vector.broadcast %jit3A_633 : f32 to vector<128x8192xf32>
    %select_n3A_635 = arith.select %eq3A_632, %broadcast_in_dim3A_634, %select_n3A_611 : vector<128x8192xi1>, vector<128x8192xf32>
    %reduce_min3A_636 = arith.constant dense<0x7F800000> : vector<128xf32>
    %reduce_min3A_637 = vector.multi_reduction <minimumf>, %select_n3A_635, %reduce_min3A_636 [1] : vector<128x8192xf32> to vector<128xf32>
    %broadcast_in_dim3A_638 = vector.shape_cast %reduce_min3A_637 : vector<128xf32> to vector<128x1xf32>
    %eq3A_639 = vector.broadcast %broadcast_in_dim3A_638 : vector<128x1xf32> to vector<128x8192xf32>
    %eq3A_640 = arith.cmpf oeq, %select_n3A_635, %eq3A_639 : vector<128x8192xf32>
    %jit3A_641 = arith.constant 8192 : i32
    %broadcast_in_dim3A_642 = vector.broadcast %jit3A_641 : i32 to vector<128x8192xi32>
    %select_n3A_643 = arith.select %eq3A_640, %iota3A, %broadcast_in_dim3A_642 : vector<128x8192xi1>, vector<128x8192xi32>
    %reduce_min3A_644 = arith.constant dense<2147483647> : vector<128xi32>
    %reduce_min3A_645 = vector.multi_reduction <minsi>, %select_n3A_643, %reduce_min3A_644 [1] : vector<128x8192xi32> to vector<128xi32>
    %broadcast_in_dim3A_646 = vector.shape_cast %reduce_min3A_645 : vector<128xi32> to vector<128x1xi32>
    %add3A_647 = vector.broadcast %mul3A_41 : i32 to vector<128x1xi32>
    %add3A_648 = arith.addi %broadcast_in_dim3A_646, %add3A_647 : vector<128x1xi32>
    %swap3A_649 = arith.constant 0 : index
    %swap3A_650 = arith.constant 0 : index
    %swap3A_651 = arith.constant 25 : index
    %swap3A_652 = vector.load %arg6[%swap3A_649, %swap3A_650, %swap3A_651] : memref<1x128x32xi32, #tpu.memory_space<vmem>>, vector<1x128x1xi32>
    %swap3A_653 = vector.shape_cast %swap3A_652 : vector<1x128x1xi32> to vector<128x1xi32>
    %swap3A_654 = vector.shape_cast %add3A_648 : vector<128x1xi32> to vector<1x128x1xi32>
    tpu.vector_store %arg6[%swap3A_649, %swap3A_650, %swap3A_651], %swap3A_654 {strides = array<i32>} : memref<1x128x32xi32, #tpu.memory_space<vmem>>, vector<1x128x1xi32>,
    %eq3A_655 = vector.broadcast %broadcast_in_dim3A_646 : vector<128x1xi32> to vector<128x8192xi32>
    %eq3A_656 = arith.cmpi eq, %iota3A, %eq3A_655 : vector<128x8192xi32>
    %jit3A_657 = arith.constant 0x7F800000 : f32
    %broadcast_in_dim3A_658 = vector.broadcast %jit3A_657 : f32 to vector<128x8192xf32>
    %select_n3A_659 = arith.select %eq3A_656, %broadcast_in_dim3A_658, %select_n3A_635 : vector<128x8192xi1>, vector<128x8192xf32>
    %reduce_min3A_660 = arith.constant dense<0x7F800000> : vector<128xf32>
    %reduce_min3A_661 = vector.multi_reduction <minimumf>, %select_n3A_659, %reduce_min3A_660 [1] : vector<128x8192xf32> to vector<128xf32>
    %broadcast_in_dim3A_662 = vector.shape_cast %reduce_min3A_661 : vector<128xf32> to vector<128x1xf32>
    %eq3A_663 = vector.broadcast %broadcast_in_dim3A_662 : vector<128x1xf32> to vector<128x8192xf32>
    %eq3A_664 = arith.cmpf oeq, %select_n3A_659, %eq3A_663 : vector<128x8192xf32>
    %jit3A_665 = arith.constant 8192 : i32
    %broadcast_in_dim3A_666 = vector.broadcast %jit3A_665 : i32 to vector<128x8192xi32>
    %select_n3A_667 = arith.select %eq3A_664, %iota3A, %broadcast_in_dim3A_666 : vector<128x8192xi1>, vector<128x8192xi32>
    %reduce_min3A_668 = arith.constant dense<2147483647> : vector<128xi32>
    %reduce_min3A_669 = vector.multi_reduction <minsi>, %select_n3A_667, %reduce_min3A_668 [1] : vector<128x8192xi32> to vector<128xi32>
    %broadcast_in_dim3A_670 = vector.shape_cast %reduce_min3A_669 : vector<128xi32> to vector<128x1xi32>
    %add3A_671 = vector.broadcast %mul3A_41 : i32 to vector<128x1xi32>
    %add3A_672 = arith.addi %broadcast_in_dim3A_670, %add3A_671 : vector<128x1xi32>
    %swap3A_673 = arith.constant 0 : index
    %swap3A_674 = arith.constant 0 : index
    %swap3A_675 = arith.constant 26 : index
    %swap3A_676 = vector.load %arg6[%swap3A_673, %swap3A_674, %swap3A_675] : memref<1x128x32xi32, #tpu.memory_space<vmem>>, vector<1x128x1xi32>
    %swap3A_677 = vector.shape_cast %swap3A_676 : vector<1x128x1xi32> to vector<128x1xi32>
    %swap3A_678 = vector.shape_cast %add3A_672 : vector<128x1xi32> to vector<1x128x1xi32>
    tpu.vector_store %arg6[%swap3A_673, %swap3A_674, %swap3A_675], %swap3A_678 {strides = array<i32>} : memref<1x128x32xi32, #tpu.memory_space<vmem>>, vector<1x128x1xi32>,
    %eq3A_679 = vector.broadcast %broadcast_in_dim3A_670 : vector<128x1xi32> to vector<128x8192xi32>
    %eq3A_680 = arith.cmpi eq, %iota3A, %eq3A_679 : vector<128x8192xi32>
    %jit3A_681 = arith.constant 0x7F800000 : f32
    %broadcast_in_dim3A_682 = vector.broadcast %jit3A_681 : f32 to vector<128x8192xf32>
    %select_n3A_683 = arith.select %eq3A_680, %broadcast_in_dim3A_682, %select_n3A_659 : vector<128x8192xi1>, vector<128x8192xf32>
    %reduce_min3A_684 = arith.constant dense<0x7F800000> : vector<128xf32>
    %reduce_min3A_685 = vector.multi_reduction <minimumf>, %select_n3A_683, %reduce_min3A_684 [1] : vector<128x8192xf32> to vector<128xf32>
    %broadcast_in_dim3A_686 = vector.shape_cast %reduce_min3A_685 : vector<128xf32> to vector<128x1xf32>
    %eq3A_687 = vector.broadcast %broadcast_in_dim3A_686 : vector<128x1xf32> to vector<128x8192xf32>
    %eq3A_688 = arith.cmpf oeq, %select_n3A_683, %eq3A_687 : vector<128x8192xf32>
    %jit3A_689 = arith.constant 8192 : i32
    %broadcast_in_dim3A_690 = vector.broadcast %jit3A_689 : i32 to vector<128x8192xi32>
    %select_n3A_691 = arith.select %eq3A_688, %iota3A, %broadcast_in_dim3A_690 : vector<128x8192xi1>, vector<128x8192xi32>
    %reduce_min3A_692 = arith.constant dense<2147483647> : vector<128xi32>
    %reduce_min3A_693 = vector.multi_reduction <minsi>, %select_n3A_691, %reduce_min3A_692 [1] : vector<128x8192xi32> to vector<128xi32>
    %broadcast_in_dim3A_694 = vector.shape_cast %reduce_min3A_693 : vector<128xi32> to vector<128x1xi32>
    %add3A_695 = vector.broadcast %mul3A_41 : i32 to vector<128x1xi32>
    %add3A_696 = arith.addi %broadcast_in_dim3A_694, %add3A_695 : vector<128x1xi32>
    %swap3A_697 = arith.constant 0 : index
    %swap3A_698 = arith.constant 0 : index
    %swap3A_699 = arith.constant 27 : index
    %swap3A_700 = vector.load %arg6[%swap3A_697, %swap3A_698, %swap3A_699] : memref<1x128x32xi32, #tpu.memory_space<vmem>>, vector<1x128x1xi32>
    %swap3A_701 = vector.shape_cast %swap3A_700 : vector<1x128x1xi32> to vector<128x1xi32>
    %swap3A_702 = vector.shape_cast %add3A_696 : vector<128x1xi32> to vector<1x128x1xi32>
    tpu.vector_store %arg6[%swap3A_697, %swap3A_698, %swap3A_699], %swap3A_702 {strides = array<i32>} : memref<1x128x32xi32, #tpu.memory_space<vmem>>, vector<1x128x1xi32>,
    %eq3A_703 = vector.broadcast %broadcast_in_dim3A_694 : vector<128x1xi32> to vector<128x8192xi32>
    %eq3A_704 = arith.cmpi eq, %iota3A, %eq3A_703 : vector<128x8192xi32>
    %jit3A_705 = arith.constant 0x7F800000 : f32
    %broadcast_in_dim3A_706 = vector.broadcast %jit3A_705 : f32 to vector<128x8192xf32>
    %select_n3A_707 = arith.select %eq3A_704, %broadcast_in_dim3A_706, %select_n3A_683 : vector<128x8192xi1>, vector<128x8192xf32>
    %reduce_min3A_708 = arith.constant dense<0x7F800000> : vector<128xf32>
    %reduce_min3A_709 = vector.multi_reduction <minimumf>, %select_n3A_707, %reduce_min3A_708 [1] : vector<128x8192xf32> to vector<128xf32>
    %broadcast_in_dim3A_710 = vector.shape_cast %reduce_min3A_709 : vector<128xf32> to vector<128x1xf32>
    %eq3A_711 = vector.broadcast %broadcast_in_dim3A_710 : vector<128x1xf32> to vector<128x8192xf32>
    %eq3A_712 = arith.cmpf oeq, %select_n3A_707, %eq3A_711 : vector<128x8192xf32>
    %jit3A_713 = arith.constant 8192 : i32
    %broadcast_in_dim3A_714 = vector.broadcast %jit3A_713 : i32 to vector<128x8192xi32>
    %select_n3A_715 = arith.select %eq3A_712, %iota3A, %broadcast_in_dim3A_714 : vector<128x8192xi1>, vector<128x8192xi32>
    %reduce_min3A_716 = arith.constant dense<2147483647> : vector<128xi32>
    %reduce_min3A_717 = vector.multi_reduction <minsi>, %select_n3A_715, %reduce_min3A_716 [1] : vector<128x8192xi32> to vector<128xi32>
    %broadcast_in_dim3A_718 = vector.shape_cast %reduce_min3A_717 : vector<128xi32> to vector<128x1xi32>
    %add3A_719 = vector.broadcast %mul3A_41 : i32 to vector<128x1xi32>
    %add3A_720 = arith.addi %broadcast_in_dim3A_718, %add3A_719 : vector<128x1xi32>
    %swap3A_721 = arith.constant 0 : index
    %swap3A_722 = arith.constant 0 : index
    %swap3A_723 = arith.constant 28 : index
    %swap3A_724 = vector.load %arg6[%swap3A_721, %swap3A_722, %swap3A_723] : memref<1x128x32xi32, #tpu.memory_space<vmem>>, vector<1x128x1xi32>
    %swap3A_725 = vector.shape_cast %swap3A_724 : vector<1x128x1xi32> to vector<128x1xi32>
    %swap3A_726 = vector.shape_cast %add3A_720 : vector<128x1xi32> to vector<1x128x1xi32>
    tpu.vector_store %arg6[%swap3A_721, %swap3A_722, %swap3A_723], %swap3A_726 {strides = array<i32>} : memref<1x128x32xi32, #tpu.memory_space<vmem>>, vector<1x128x1xi32>,
    %eq3A_727 = vector.broadcast %broadcast_in_dim3A_718 : vector<128x1xi32> to vector<128x8192xi32>
    %eq3A_728 = arith.cmpi eq, %iota3A, %eq3A_727 : vector<128x8192xi32>
    %jit3A_729 = arith.constant 0x7F800000 : f32
    %broadcast_in_dim3A_730 = vector.broadcast %jit3A_729 : f32 to vector<128x8192xf32>
    %select_n3A_731 = arith.select %eq3A_728, %broadcast_in_dim3A_730, %select_n3A_707 : vector<128x8192xi1>, vector<128x8192xf32>
    %reduce_min3A_732 = arith.constant dense<0x7F800000> : vector<128xf32>
    %reduce_min3A_733 = vector.multi_reduction <minimumf>, %select_n3A_731, %reduce_min3A_732 [1] : vector<128x8192xf32> to vector<128xf32>
    %broadcast_in_dim3A_734 = vector.shape_cast %reduce_min3A_733 : vector<128xf32> to vector<128x1xf32>
    %eq3A_735 = vector.broadcast %broadcast_in_dim3A_734 : vector<128x1xf32> to vector<128x8192xf32>
    %eq3A_736 = arith.cmpf oeq, %select_n3A_731, %eq3A_735 : vector<128x8192xf32>
    %jit3A_737 = arith.constant 8192 : i32
    %broadcast_in_dim3A_738 = vector.broadcast %jit3A_737 : i32 to vector<128x8192xi32>
    %select_n3A_739 = arith.select %eq3A_736, %iota3A, %broadcast_in_dim3A_738 : vector<128x8192xi1>, vector<128x8192xi32>
    %reduce_min3A_740 = arith.constant dense<2147483647> : vector<128xi32>
    %reduce_min3A_741 = vector.multi_reduction <minsi>, %select_n3A_739, %reduce_min3A_740 [1] : vector<128x8192xi32> to vector<128xi32>
    %broadcast_in_dim3A_742 = vector.shape_cast %reduce_min3A_741 : vector<128xi32> to vector<128x1xi32>
    %add3A_743 = vector.broadcast %mul3A_41 : i32 to vector<128x1xi32>
    %add3A_744 = arith.addi %broadcast_in_dim3A_742, %add3A_743 : vector<128x1xi32>
    %swap3A_745 = arith.constant 0 : index
    %swap3A_746 = arith.constant 0 : index
    %swap3A_747 = arith.constant 29 : index
    %swap3A_748 = vector.load %arg6[%swap3A_745, %swap3A_746, %swap3A_747] : memref<1x128x32xi32, #tpu.memory_space<vmem>>, vector<1x128x1xi32>
    %swap3A_749 = vector.shape_cast %swap3A_748 : vector<1x128x1xi32> to vector<128x1xi32>
    %swap3A_750 = vector.shape_cast %add3A_744 : vector<128x1xi32> to vector<1x128x1xi32>
    tpu.vector_store %arg6[%swap3A_745, %swap3A_746, %swap3A_747], %swap3A_750 {strides = array<i32>} : memref<1x128x32xi32, #tpu.memory_space<vmem>>, vector<1x128x1xi32>,
    %eq3A_751 = vector.broadcast %broadcast_in_dim3A_742 : vector<128x1xi32> to vector<128x8192xi32>
    %eq3A_752 = arith.cmpi eq, %iota3A, %eq3A_751 : vector<128x8192xi32>
    %jit3A_753 = arith.constant 0x7F800000 : f32
    %broadcast_in_dim3A_754 = vector.broadcast %jit3A_753 : f32 to vector<128x8192xf32>
    %select_n3A_755 = arith.select %eq3A_752, %broadcast_in_dim3A_754, %select_n3A_731 : vector<128x8192xi1>, vector<128x8192xf32>
    %reduce_min3A_756 = arith.constant dense<0x7F800000> : vector<128xf32>
    %reduce_min3A_757 = vector.multi_reduction <minimumf>, %select_n3A_755, %reduce_min3A_756 [1] : vector<128x8192xf32> to vector<128xf32>
    %broadcast_in_dim3A_758 = vector.shape_cast %reduce_min3A_757 : vector<128xf32> to vector<128x1xf32>
    %eq3A_759 = vector.broadcast %broadcast_in_dim3A_758 : vector<128x1xf32> to vector<128x8192xf32>
    %eq3A_760 = arith.cmpf oeq, %select_n3A_755, %eq3A_759 : vector<128x8192xf32>
    %jit3A_761 = arith.constant 8192 : i32
    %broadcast_in_dim3A_762 = vector.broadcast %jit3A_761 : i32 to vector<128x8192xi32>
    %select_n3A_763 = arith.select %eq3A_760, %iota3A, %broadcast_in_dim3A_762 : vector<128x8192xi1>, vector<128x8192xi32>
    %reduce_min3A_764 = arith.constant dense<2147483647> : vector<128xi32>
    %reduce_min3A_765 = vector.multi_reduction <minsi>, %select_n3A_763, %reduce_min3A_764 [1] : vector<128x8192xi32> to vector<128xi32>
    %broadcast_in_dim3A_766 = vector.shape_cast %reduce_min3A_765 : vector<128xi32> to vector<128x1xi32>
    %add3A_767 = vector.broadcast %mul3A_41 : i32 to vector<128x1xi32>
    %add3A_768 = arith.addi %broadcast_in_dim3A_766, %add3A_767 : vector<128x1xi32>
    %swap3A_769 = arith.constant 0 : index
    %swap3A_770 = arith.constant 0 : index
    %swap3A_771 = arith.constant 30 : index
    %swap3A_772 = vector.load %arg6[%swap3A_769, %swap3A_770, %swap3A_771] : memref<1x128x32xi32, #tpu.memory_space<vmem>>, vector<1x128x1xi32>
    %swap3A_773 = vector.shape_cast %swap3A_772 : vector<1x128x1xi32> to vector<128x1xi32>
    %swap3A_774 = vector.shape_cast %add3A_768 : vector<128x1xi32> to vector<1x128x1xi32>
    tpu.vector_store %arg6[%swap3A_769, %swap3A_770, %swap3A_771], %swap3A_774 {strides = array<i32>} : memref<1x128x32xi32, #tpu.memory_space<vmem>>, vector<1x128x1xi32>,
    %eq3A_775 = vector.broadcast %broadcast_in_dim3A_766 : vector<128x1xi32> to vector<128x8192xi32>
    %eq3A_776 = arith.cmpi eq, %iota3A, %eq3A_775 : vector<128x8192xi32>
    %jit3A_777 = arith.constant 0x7F800000 : f32
    %broadcast_in_dim3A_778 = vector.broadcast %jit3A_777 : f32 to vector<128x8192xf32>
    %select_n3A_779 = arith.select %eq3A_776, %broadcast_in_dim3A_778, %select_n3A_755 : vector<128x8192xi1>, vector<128x8192xf32>
    %reduce_min3A_780 = arith.constant dense<0x7F800000> : vector<128xf32>
    %reduce_min3A_781 = vector.multi_reduction <minimumf>, %select_n3A_779, %reduce_min3A_780 [1] : vector<128x8192xf32> to vector<128xf32>
    %broadcast_in_dim3A_782 = vector.shape_cast %reduce_min3A_781 : vector<128xf32> to vector<128x1xf32>
    %eq3A_783 = vector.broadcast %broadcast_in_dim3A_782 : vector<128x1xf32> to vector<128x8192xf32>
    %eq3A_784 = arith.cmpf oeq, %select_n3A_779, %eq3A_783 : vector<128x8192xf32>
    %jit3A_785 = arith.constant 8192 : i32
    %broadcast_in_dim3A_786 = vector.broadcast %jit3A_785 : i32 to vector<128x8192xi32>
    %select_n3A_787 = arith.select %eq3A_784, %iota3A, %broadcast_in_dim3A_786 : vector<128x8192xi1>, vector<128x8192xi32>
    %reduce_min3A_788 = arith.constant dense<2147483647> : vector<128xi32>
    %reduce_min3A_789 = vector.multi_reduction <minsi>, %select_n3A_787, %reduce_min3A_788 [1] : vector<128x8192xi32> to vector<128xi32>
    %broadcast_in_dim3A_790 = vector.shape_cast %reduce_min3A_789 : vector<128xi32> to vector<128x1xi32>
    %add3A_791 = vector.broadcast %mul3A_41 : i32 to vector<128x1xi32>
    %add3A_792 = arith.addi %broadcast_in_dim3A_790, %add3A_791 : vector<128x1xi32>
    %swap3A_793 = arith.constant 0 : index
    %swap3A_794 = arith.constant 0 : index
    %swap3A_795 = arith.constant 31 : index
    %swap3A_796 = vector.load %arg6[%swap3A_793, %swap3A_794, %swap3A_795] : memref<1x128x32xi32, #tpu.memory_space<vmem>>, vector<1x128x1xi32>
    %swap3A_797 = vector.shape_cast %swap3A_796 : vector<1x128x1xi32> to vector<128x1xi32>
    %swap3A_798 = vector.shape_cast %add3A_792 : vector<128x1xi32> to vector<1x128x1xi32>
    tpu.vector_store %arg6[%swap3A_793, %swap3A_794, %swap3A_795], %swap3A_798 {strides = array<i32>} : memref<1x128x32xi32, #tpu.memory_space<vmem>>, vector<1x128x1xi32>,
    return
  }
  func.func @transform_0(%arg0: i32, %arg1: i32) -> (i32, i32, i32) {
    %c0_i32 = arith.constant 0 : i32
    %c0_i32_0 = arith.constant 0 : i32
    %c0_i32_1 = arith.constant 0 : i32
    return %arg0, %c0_i32, %c0_i32_0 : i32, i32, i32
  }
  func.func @transform_1(%arg0: i32, %arg1: i32) -> (i32, i32, i32) {
    %c0_i32 = arith.constant 0 : i32
    %c0_i32_0 = arith.constant 0 : i32
    %c0_i32_1 = arith.constant 0 : i32
    return %arg0, %c0_i32, %c0_i32_0 : i32, i32, i32
  }
  func.func @transform_2(%arg0: i32, %arg1: i32) -> (i32, i32, i32) {
    %c0_i32 = arith.constant 0 : i32
    %c0_i32_0 = arith.constant 0 : i32
    %c0_i32_1 = arith.constant 0 : i32
    return %arg0, %c0_i32, %c0_i32_0 : i32, i32, i32
  }
  func.func @transform_3(%arg0: i32, %arg1: i32) -> (i32, i32, i32) {
    %c0_i32 = arith.constant 0 : i32
    %c0_i32_0 = arith.constant 0 : i32
    return %arg0, %arg1, %c0_i32 : i32, i32, i32
  }
  func.func @transform_4(%arg0: i32, %arg1: i32) -> (i32, i32, i32) {
    %c0_i32 = arith.constant 0 : i32
    %c0_i32_0 = arith.constant 0 : i32
    return %arg0, %arg1, %c0_i32 : i32, i32, i32
  }
}

module attributes {stable_mosaic.version = 14 : i64} {
  func.func @_sub_kernel(%arg0: i32, %arg1: memref<128x32x8xf32, #tpu.memory_space<vmem>>, %arg2: memref<128x1x3xf32, #tpu.memory_space<vmem>>, %arg3: memref<128x32x3xf32, #tpu.memory_space<vmem>>) attributes {dimension_semantics = [#tpu.dimension_semantics<arbitrary>], iteration_bounds = array<i64: 32>, scalar_prefetch = 0 : i64, scratch_operands = 0 : i64, tpu.core_type = #tpu.core_type<tc>, window_params = [{transform_indices = @transform_0, window_bounds = array<i64: 128, 32, 8>}, {transform_indices = @transform_1, window_bounds = array<i64: 128, 1, 3>}, {transform_indices = @transform_2, window_bounds = array<i64: 128, 32, 3>}]} {
    %get3A = arith.constant 0 : index
    %get3A_0 = arith.constant 0 : index
    %get3A_1 = arith.constant 0 : index
    %get3A_2 = vector.load %arg1[%get3A, %get3A_0, %get3A_1] : memref<128x32x8xf32, #tpu.memory_space<vmem>>, vector<128x32x3xf32>
    %get3A_3 = arith.constant 0 : index
    %get3A_4 = arith.constant 0 : index
    %get3A_5 = arith.constant 0 : index
    %get3A_6 = vector.load %arg2[%get3A_3, %get3A_4, %get3A_5] : memref<128x1x3xf32, #tpu.memory_space<vmem>>, vector<128x1x3xf32>
    %sub3A = vector.broadcast %get3A_6 : vector<128x1x3xf32> to vector<128x32x3xf32>
    %sub3A_7 = arith.subf %get3A_2, %sub3A : vector<128x32x3xf32>
    %swap3A = arith.constant 0 : index
    %swap3A_8 = arith.constant 0 : index
    %swap3A_9 = arith.constant 0 : index
    %swap3A_10 = vector.load %arg3[%swap3A, %swap3A_8, %swap3A_9] : memref<128x32x3xf32, #tpu.memory_space<vmem>>, vector<128x32x3xf32>
    tpu.vector_store %arg3[%swap3A, %swap3A_8, %swap3A_9], %sub3A_7 {strides = array<i32>} : memref<128x32x3xf32, #tpu.memory_space<vmem>>, vector<128x32x3xf32>,
    return
  }
  func.func @transform_0(%arg0: i32) -> (i32, i32, i32) {
    %c0_i32 = arith.constant 0 : i32
    %c0_i32_0 = arith.constant 0 : i32
    %c0_i32_1 = arith.constant 0 : i32
    return %arg0, %c0_i32, %c0_i32_0 : i32, i32, i32
  }
  func.func @transform_1(%arg0: i32) -> (i32, i32, i32) {
    %c0_i32 = arith.constant 0 : i32
    %c0_i32_0 = arith.constant 0 : i32
    %c0_i32_1 = arith.constant 0 : i32
    return %arg0, %c0_i32, %c0_i32_0 : i32, i32, i32
  }
  func.func @transform_2(%arg0: i32) -> (i32, i32, i32) {
    %c0_i32 = arith.constant 0 : i32
    %c0_i32_0 = arith.constant 0 : i32
    %c0_i32_1 = arith.constant 0 : i32
    return %arg0, %c0_i32, %c0_i32_0 : i32, i32, i32
  }
}

</mosaic_0001>

<sc_bundles>
// kernel: kernel.6.cloned.1.call-start
scs
__scs_entry_jumppad:
0x0: {  	(pc) =	sbr.rel $0x88, $3  }
0x1: {  	(tag) =	ssettag $0x0;
	lr =	simm.s32 $0x1  }
0x2: {  	[smem:$0x3FA0] =	sst lr;
	_ =	strace $0xD0000000  }
0x3: {  	_ = 	snop  }
0x4: {  	_ = 	snop  }
0x5: {  	_ = 	snop  }
0x6: {  	_ = 	snop  }
0x7: {  	_ = 	snop  }
__scs_overlays_trampoline_lowered:
0x8: {  	[smem:$0x3FAF] =	sst s0  }
0x9: {  	[smem:$0x3FB0] =	sst s1  }
0xa: {  	[smem:$0x3FB1] =	sst s2  }
0xb: {  	[smem:$0x3FB2] =	sst s3  }
0xc: {  	[smem:$0x3FB3] =	sst s4  }
0xd: {  	[smem:$0x3FB4] =	sst s5  }
0xe: {  	[smem:$0x3FB5] =	sst s6  }
0xf: {  	[smem:$0x3FB6] =	sst s7  }
0x10: {  	[smem:$0x3FB7] =	sst s8  }
0x11: {  	[smem:$0x3FB8] =	sst s9;
	s0 =	simm.s32 @!p0 $0x0  }
0x12: {  	s1 =	sld [smem:$0x3F9E];
	s0 =	simm.s32 @p0 $0x1  }
0x13: {  	[smem:$0x3FB9] =	sst s0;
	s0 =	simm.s32 @!p1 $0x0  }
0x14: {  	s2 =	sld [smem:$0x3F9D];
	s0 =	simm.s32 @p1 $0x1  }
0x15: {  	[smem:$0x3FBA] =	sst s0;
	s0 =	simm.s32 @!p2 $0x0  }
0x16: {  	s3 =	sld [smem:$0x3FDB];
	s0 =	simm.s32 @p2 $0x1  }
0x17: {  	s4 =	simm.s32 $0x1BF5;
	[smem:$0x3FBC] =	sst s0  }
0x18: {  	s0 =	sld [smem:$0x3F9F];
	_ =	swait.ge [sflag:s4], $0x0  }
0x19: {  	s7 =	sld [smem:$0x3FA0]  }
0x1a: {  	s8 =	sadd.s32 $0xFFFFE003, lr  }
0x1b: {  	s9 =	sadd.s32 $0xFFFFFEF7, lr;
	s5 =	simm.s32 $0xFFFFFFFF;
	p2 =	slt.u32 s8, $0xFFFFF086  }
0x1c: {  	p1 =	slt.u32 s9, $0xF7A;
	s5 =	simm.s32 @!p2 $0x0  }
0x1d: {  	s5 =	simm.s32 @p1 $0x1;
	p0 =	seq.s32 s7, s2  }
0x1e: {  	s7 =	smul.u32 @!p0 $0xF7A, s2;
	p2 =	seq.s32 @!p0 s5, $0x0  }
0x1f: {  	s9 =	smul.u32 $0xF7A, s1;
	s8 =	simm.s32 @!p0 $0x1BF5;
	p2 =	por !p2, p0  }
0x20: {  	[sflag:s8] =	ssyncset.s32 @!p0 $0xFFFFF086;
	s6 =	sadd.s32 @!p0 s3, s7;
	s7 =	simm.s32 @!p0 $0x108  }
0x21: {  	s3 =	sadd.s32 s3, s9;
	s6 =	sadd.s32 @!p0 $0x88, s6;
	s7 =	simm.s32 @p2 $0x1082  }
0x22: {  	[simem:s7], [sflag:s8] =	dma.local @!p0 [hbm:s6], $0xF7A  }
0x23: {  	s9 =	sor.u32 $0xD0000000, s2;
	s6 =	simm.s32 $0x108;
	_ =	swait.ge @!p0 [sflag:s8], $0x0  }
0x24: {  	s3 =	sadd.s32 $0x88, s3;
	s6 =	simm.s32 @!p1 $0x1082;
	[sflag:s4] =	ssyncset.s32 $0xFFFFF086  }
0x25: {  	[simem:s6], [sflag:s4] =	dma.local [hbm:s3], $0xF7A  }
0x26: {  	[smem:$0x3FA0] =	sst s1;
	(tag) =	ssettag s2;
	_ =	strace s9  }
0x27: {  	s1 =	sld [smem:$0x3FB0]  }
0x28: {  	s2 =	sld [smem:$0x3FB1]  }
0x29: {  	s4 =	sld [smem:$0x3FB3]  }
0x2a: {  	p0 =	seq.s32 s5, $0x0;
	s5 =	sld [smem:$0x3FB4]  }
0x2b: {  	s6 =	sld [smem:$0x3FB5]  }
0x2c: {  	s7 =	sld [smem:$0x3FB6]  }
0x2d: {  	s3 =	simm.s32 $0x108;
	s8 =	sld [smem:$0x3FB7]  }
0x2e: {  	s3 =	simm.s32 @!p0 $0x1082;
	s9 =	sld [smem:$0x3FB8]  }
0x2f: {  	lr =	sadd.s32 s0, s3;
	s0 =	sld [smem:$0x3FAF]  }
0x30: {  	s3 =	sld [smem:$0x3FB2]  }
0x31: {  	[smem:$0x3FBB] =	sst s10  }
0x32: {  	s10 =	sld [smem:$0x3FB9];
	_ =	sdelay $0x3  }
0x33: {  	p0 =	seq.s32 s10, $0x1;
	s10 =	sld [smem:$0x3FBB];
	_ =	sdelay $0x3  }
0x34: {  	[smem:$0x3FBB] =	sst s10  }
0x35: {  	s10 =	sld [smem:$0x3FBA];
	_ =	sdelay $0x3  }
0x36: {  	p1 =	seq.s32 s10, $0x1;
	s10 =	sld [smem:$0x3FBB];
	_ =	sdelay $0x3  }
0x37: {  	[smem:$0x3FBB] =	sst s10  }
0x38: {  	s10 =	sld [smem:$0x3FBC]  }
0x39: {  	_ = 	snop;
	(pc) =	sbr.ind lr, $3  }
0x3a: {  	_ = 	snop  }
0x3b: {  	_ = 	snop  }
0x3c: {  	p2 =	seq.s32 s10, $0x1;
	s10 =	sld [smem:$0x3FBB]  }
0x3d: {  	_ =	shalt  }
0x3e: {  	_ =	shalt  }
0x3f: {  	_ =	shalt  }
0x40: {  	_ =	shalt  }
0x41: {  	_ =	shalt  }
0x42: {  	_ =	shalt  }
0x43: {  	_ =	shalt  }
0x44: {  	_ =	shalt  }
0x45: {  	_ =	shalt  }
0x46: {  	_ =	shalt  }
0x47: {  	_ =	shalt  }
0x48: {  	_ =	shalt  }
0x49: {  	_ =	shalt  }
0x4a: {  	_ =	shalt  }
0x4b: {  	_ =	shalt  }
0x4c: {  	_ =	shalt  }
0x4d: {  	_ =	shalt  }
0x4e: {  	_ =	shalt  }
0x4f: {  	_ =	shalt  }
0x50: {  	_ =	shalt  }
0x51: {  	_ =	shalt  }
0x52: {  	_ =	shalt  }
0x53: {  	_ =	shalt  }
0x54: {  	_ =	shalt  }
0x55: {  	_ =	shalt  }
0x56: {  	_ =	shalt  }
0x57: {  	_ =	shalt  }
0x58: {  	_ =	shalt  }
0x59: {  	_ =	shalt  }
0x5a: {  	_ =	shalt  }
0x5b: {  	_ =	shalt  }
0x5c: {  	_ =	shalt  }
0x5d: {  	_ =	shalt  }
0x5e: {  	_ =	shalt  }
0x5f: {  	_ =	shalt  }
0x60: {  	_ =	shalt  }
0x61: {  	_ =	shalt  }
0x62: {  	_ =	shalt  }
0x63: {  	_ =	shalt  }
0x64: {  	_ =	shalt  }
0x65: {  	_ =	shalt  }
0x66: {  	_ =	shalt  }
0x67: {  	_ =	shalt  }
0x68: {  	_ =	shalt  }
0x69: {  	_ =	shalt  }
0x6a: {  	_ =	shalt  }
0x6b: {  	_ =	shalt  }
0x6c: {  	_ =	shalt  }
0x6d: {  	_ =	shalt  }
0x6e: {  	_ =	shalt  }
0x6f: {  	_ =	shalt  }
0x70: {  	_ =	shalt  }
0x71: {  	_ =	shalt  }
0x72: {  	_ =	shalt  }
0x73: {  	_ =	shalt  }
0x74: {  	_ =	shalt  }
0x75: {  	_ =	shalt  }
0x76: {  	_ =	shalt  }
0x77: {  	_ =	shalt  }
0x78: {  	_ =	shalt  }
0x79: {  	_ =	shalt  }
0x7a: {  	_ =	shalt  }
0x7b: {  	_ =	shalt  }
0x7c: {  	_ =	shalt  }
0x7d: {  	_ =	shalt  }
0x7e: {  	_ =	shalt  }
0x7f: {  	_ =	shalt  }
0x80: {  	_ =	shalt  }
0x81: {  	_ =	shalt  }
0x82: {  	_ =	shalt  }
0x83: {  	_ =	shalt  }
0x84: {  	_ =	shalt  }
0x85: {  	_ =	shalt  }
0x86: {  	_ =	shalt  }
0x87: {  	_ =	shalt  }
.Lfunc_end0:
.L_simem_size_0:
called_computation_lowered:
.L_overlay_start_0:
0x88: {  	s2 =	sld [smem:$0x3FD9]  }
0x89: {  	s3 =	sld [smem:$0x3FFE];
	_ =	sdelay $0x1  }
0x8a: {  	s1 =	srdreg.scid  }
0x8b: {  	s0 =	sand.u32 $0x1, s1  }
0x8c: {  	s14 =	sshll.u32 s0, $0xA;
	s2 =	sadd.s32 s3, s2  }
0x8d: {  	s2 =	sadd.s32 s2, s14  }
0x8e: {  	[smem:$0x3FC7] =	sst s2  }
0x8f: {  	_ = 	snop  }
0x90: {  	s2 =	sld [smem:$0x3FD0];
	_ =	sdelay $0x2  }
0x91: {  	s15 =	simm.s32 $0xA;
	s4 =	simm.s32 $0x10  }
0x92: {  	[smem:s4], [sflag:s15] =	dma.local [hbm:s2], $0x1  }
0x93: {  	_ =	swait.eq [sflag:s15], $0x1  }
0x94: {  	[sflag:s15] =	ssyncset.done $0x0  }
0x95: {  	[sflag:s15] =	ssyncadd.s32 $0xFFFFFFFF  }
0x96: {  	s16 =	sld [smem:$0x10];
	(tm) =	ssettm $0x1  }
0x97: {  	s17 =	sld [smem:$0x3FFB];
	_ =	sdelay $0x3  }
0x98: {  	_ =	strace s17  }
0x99: {  	s3 =	sld [smem:$0x3FFC];
	_ =	sdelay $0x3  }
0x9a: {  	_ =	strace s3  }
0x9b: {  	s3 =	sld [smem:$0x3FFD];
	_ =	sdelay $0x3  }
0x9c: {  	_ =	strace s3  }
0x9d: {  	_ =	strace $0x8FFFFFFF  }
0x9e: {  	s18 =	sld [smem:$0x3FDB];
	_ =	sdelay $0x1  }
0x9f: {  	s19 =	simm.s32 $_scs_section_size  }
0xa0: {  	s5 =	simm.s32 $_size__tile_overlayer_lowered;
	s6 =	simm.s32 $_tile_overlayer_lowered  }
0xa1: {  	s22 =	simm.s32 $0x1BFF;
	s21 =	sshll.u32 s6, $0x1;
	s3 =	sadd.s32 s19, s18  }
0xa2: {  	s7 =	simm.s32 $0x0;
	s20 =	sshll.u32 s5, $0x1;
	s5 =	sadd.s32 s21, s3  }
0xa3: {  	[timem:s7], [sflag:s22] =	dma.local [hbm:s5], s20  }
0xa4: {  	_ =	swait.ge [sflag:s22], s20  }
0xa5: {  	s4 =	ssub.s32 $0x0, s20;
	[sflag:s22] =	ssyncset.done $0x0  }
0xa6: {  	[sflag:s22] =	ssyncadd.s32 s4;
	_ =	sdelay $0x1  }
0xa7: {  	s23 =	simm.s32 $0x1B8B  }
0xa8: {  	_ =	swait.ge [sflag:s23], $0x1  }
0xa9: {  	[sflag:s23] =	ssyncset.done $0x0  }
0xaa: {  	s25 =	simm.s32 $0x1B8E;
	s24 =	sld [smem:$0x3FFE];
	[sflag:s23] =	ssyncadd.s32 $0xFFFFFFFF  }
0xab: {  	s26 =	simm.s32 $execute0_lowered;
	[smem:$0x3FD2] =	sst s25  }
0xac: {  	s5 =	sshll.u32 s26, $0x1;
	_ =	strace $0x80000046;
	[dreg:$0x1] =	wrdreg $0xFFFFFFFF  }
0xad: {  	s28 =	simm.s32 $_size_execute0_lowered;
	s3 =	sadd.s32 s3, s5;
	[dreg:$0x0] =	wrdreg $0x0  }
0xae: {  	s5 =	sshll.u32 s28, $0x1;
	[dreg:$0x2] =	wrdreg s3  }
0xaf: {  	[dreg:$0x3] =	wrdreg s5  }
0xb0: {  	[dreg:$0x4] =	wrdreg $0xC0  }
0xb1: {  	_ =	task [dreg:s7], $0x5FFFF  }
0xb2: {  	[dreg:$0x1] =	wrdreg $0xFFFFFFFF  }
0xb3: {  	[dreg:$0x0] =	wrdreg $0x60  }
0xb4: {  	[dreg:$0x2] =	wrdreg s24  }
0xb5: {  	[dreg:$0x3] =	wrdreg s16  }
0xb6: {  	[dreg:$0x4] =	wrdreg $0x9  }
0xb7: {  	_ =	task.clear_ibuf [dreg:s7], $0x5FFFF;
	_ =	strace $0x90000046  }
0xb8: {  	s29 =	simm.s32 $0x9;
	_ =	strace $0x80000048  }
0xb9: {  	_ =	swait.ge [sflag:s29], $0x1  }
0xba: {  	[sflag:s29] =	ssyncadd.s32 $0xFFFFFFFF  }
0xbb: {  	_ =	strace $0x90000048  }
0xbc: {  	_ =	sfence  }
0xbd: {  	s30 =	sld [smem:$0x0];
	_ =	sdelay $0x2  }
0xbe: {  	s31 =	sshll.u32 s1, $0xD;
	s1 =	sshrl.u32 s1, $0x2  }
0xbf: {  	s3 =	sand.u32 $0x4000, s31;
	s1 =	sadd.s32 s1, s30  }
0xc0: {  	s0 =	sor.u32 s3, s0;
	s1 =	sshll.u32 s1, $0x11  }
0xc1: {  	s0 =	sor.u32 s1, s0  }
0xc2: {  	s0 =	sadd.s32 $0x8F2B, s0  }
0xc3: {  	[sflag:s0] =	ssyncadd.remote.s32 $0x1  }
0xc4: {  	_ =	sfence.sel $0xFFFF  }
0xc5: {  	[dreg:$0x0] =	wrdreg $0xFFFFFFFF;
	(pc) =	sbr.abs _section_cstart, $3  }
0xc6: {  	[dreg:$0x1] =	wrdreg $0xFFFFFFFF  }
0xc7: {  	_ =	task.clear_ibuf [dreg:s7], $0x2FFFF;
	_ =	strace $0x9FFFFFFF  }
0xc8: {  	(tm) =	ssettm $0x7FFFFFFF  }
0xc9: {  	_ =	shalt  }
tec
execute0_lowered:
.L_overlay_start_1:
0x0: {  	(tag) =	ssettag $0x1  }
0x1: {  	s4 =	rddreg [dreg:$0x0]  }
0x2: {  	s5 =	rddreg [dreg:$0x1];
	s1 =	srdreg.scid  }
0x3: {  	s0 =	rddreg [dreg:$0x2];
	s2 =	simm.s32 $0x0;
	s10 =	simm.s32 $0x0  }
0x4: {  	s6 =	sand.u32 $0x1, s1;
	[smem:$0x7FF] =	sst s2;
	s1 =	stileid.u32  }
0x5: {  	s3 =	sadd.s32 $0x100600, s4;
	s7 =	ssub.s32 $0x2, s6;
	_ =	strace $0x80000047  }
0x6: {  	s8 =	sshll.u32 s1, $0xD;
	s29 =	sshll.u32 s6, $0xC;
	s30 =	sshll.u32 s1, $0xA  }
0x7: {  	s6 =	sshll.u32 s6, $0x9;
	s9 =	sshrl.u32 s7, $0x1;
	s8 =	sadd.s32 s8, s4  }
0x8: {  	s31 =	sadd.s32 s30, s5;
	s28 =	ssub.s32 s7, s9;
	s7 =	sadd.s32 s29, s8  }
0x9: {  	s6 =	sadd.s32 s6, s31;
	s8 =	simm.s32 $0x80;
	s9 =	simm.s32 $0x1  }
0xa: {  	s4 =	smax.u32 s28, $0x1;
	s5 =	sadd.s32 $0x600, s7;
	s7 =	simm.s32 $0x2  }
.LBB2_1:
0xb: {  	s11 =	sadd.s32 $0x0, s6  }
0xc: {  	[tilespmem:s2], [sflag:$0x2] =	stream.linear.gather [hbm4b:s11+s2], $0x80, $0x38;
	[tilespmem:$0x480] =	vst v63  }
0xd: {  	_ =	swait.ge [sflag:s7], $0x80  }
0xe: {  	[sflag:s7] =	ssyncset.done $0x0  }
0xf: {  	[sflag:s7] =	ssyncadd.s32 $0xFFFFFF80  }
0x10: {  	[tilespmem:s8], [sflag:$0x1] =	stream.indirect.gather [hbm4b:s3+s8], $0x8, s2, s8, $0xb8;
	[tilespmem:$0x480] =	vst v63  }
0x11: {  	_ =	swait.ge [sflag:s9], $0x400  }
0x12: {  	[sflag:s9] =	ssyncset.done $0x0  }
0x13: {  	[sflag:s9] =	ssyncadd.s32 $0xFFFFFC00  }
0x14: {  	[hbm4b:s5+s2] =	stream.linear.scatter [tilespmem:s8], [sflag:$0x2], $0x400, $0x38;
	[tilespmem:$0x480] =	vst v63  }
0x15: {  	s12 =	simm.s32 $0x10;
	_ =	swait.ge [sflag:s7], $0x400  }
0x16: {  	s13 =	simm.s32 $0x20;
	s11 =	sadd.s32 $0x80, s5;
	[sflag:s7] =	ssyncset.done $0x0  }
.LBB2_2:
0x17: {  	s14 =	sadd.s32 s12, s6  }
0x18: {  	[sflag:s7] =	ssyncadd.s32 $0xFFFFFC00;
	s12 =	smov.u32 s13;
	s15 =	sadd.s32 $0x10, s13  }
0x19: {  	[tilespmem:s2], [sflag:$0x2] =	stream.linear.gather [hbm4b:s14+s2], $0x80, $0x38;
	[tilespmem:$0x480] =	vst v63  }
0x1a: {  	p0 =	sne.s32 s13, $0x1F0;
	_ =	swait.ge [sflag:s7], $0x80  }
0x1b: {  	[sflag:s7] =	ssyncset.done $0x0  }
0x1c: {  	[sflag:s7] =	ssyncadd.s32 $0xFFFFFF80  }
0x1d: {  	[tilespmem:s8], [sflag:$0x1] =	stream.indirect.gather [hbm4b:s3+s8], $0x8, s2, s8, $0xb8;
	[tilespmem:$0x480] =	vst v63  }
0x1e: {  	_ =	swait.ge [sflag:s9], $0x400  }
.Ltmp0:
0x1f: {  	[sflag:s9] =	ssyncset.done $0x0;
	(pc) =	sbr.rel @p0 .LBB2_2-.Ltmp0, $4  }
0x20: {  	[sflag:s9] =	ssyncadd.s32 $0xFFFFFC00  }
0x21: {  	[hbm4b:s11+s2] =	stream.linear.scatter [tilespmem:s8], [sflag:$0x2], $0x400, $0x38;
	[tilespmem:$0x480] =	vst v63  }
0x22: {  	_ =	swait.ge [sflag:s7], $0x400  }
0x23: {  	s13 =	smov.u32 s15;
	s11 =	sadd.s32 $0x80, s11;
	[sflag:s7] =	ssyncset.done $0x0  }
0x24: {  	s12 =	sadd.s32 s12, s6;
	[sflag:s7] =	ssyncadd.s32 $0xFFFFFC00  }
0x25: {  	[tilespmem:s2], [sflag:$0x2] =	stream.linear.gather [hbm4b:s12+s2], $0x80, $0x38;
	[tilespmem:$0x480] =	vst v63  }
0x26: {  	_ =	swait.ge [sflag:s7], $0x80  }
0x27: {  	[sflag:s7] =	ssyncset.done $0x0  }
0x28: {  	[sflag:s7] =	ssyncadd.s32 $0xFFFFFF80  }
0x29: {  	[tilespmem:s8], [sflag:$0x1] =	stream.indirect.gather [hbm4b:s3+s8], $0x8, s2, s8, $0xb8;
	[tilespmem:$0x480] =	vst v63  }
0x2a: {  	s10 =	sadd.s32 $0x1, s10;
	_ =	swait.ge [sflag:s9], $0x400  }
0x2b: {  	p0 =	sne.s32 s10, s4;
	[sflag:s9] =	ssyncset.done $0x0  }
.Ltmp1:
0x2c: {  	[sflag:s9] =	ssyncadd.s32 $0xFFFFFC00;
	(pc) =	sbr.rel @p0 .LBB2_1-.Ltmp1, $4  }
0x2d: {  	[hbm4b:s11+s2] =	stream.linear.scatter [tilespmem:s8], [sflag:$0x2], $0x400, $0x38;
	[tilespmem:$0x480] =	vst v63  }
0x2e: {  	_ =	swait.ge [sflag:s7], $0x400  }
0x2f: {  	[sflag:s7] =	ssyncset.done $0x0  }
0x30: {  	[sflag:s7] =	ssyncadd.s32 $0xFFFFFC00  }
0x31: {  	_ =	sfence.sel $0x180000  }
0x32: {  	[bflag:$0x0] =	sbarrier.arrive $0xFFFF  }
0x33: {  	p0 =	sne.s32 s1, $0x0;
	_ =	strace $0x90000047  }
0x34: {  	s0 =	sadd.s32 @!p0 $0x100000, s0;
	[bflag:$0x2] =	sbarrier.arrive $0xFFFF  }
0x35: {  	[sflag:s0] =	ssyncadd.tile.s32 @!p0 $0x1;
	_ =	shalt  }
.Lfunc_end2:
_tile_overlayer_lowered:
.L_overlay_start_2:
0x36: {  	(tag) =	ssettag $0x2  }
0x37: {  	s0 =	rddreg [dreg:$0x0];
	s2 =	stileid.u32  }
0x38: {  	s1 =	rddreg [dreg:$0x1];
	p0 =	sne.s32 s2, $0x0  }
0x39: {  	s3 =	rddreg [dreg:$0x2];
	[bflag:$0x3] =	sbarrier.arrive $0xFFFF;
	s2 =	simm.s32 @!p0 $0x1C02  }
0x3a: {  	[timem:s3], [sflag:s2] =	dma.local @!p0 [hbm:s0], s1  }
0x3b: {  	s0 =	simm.s32 @!p0 $0x2  }
0x3c: {  	_ =	swait.ge @!p0 [sflag:s0], s1  }
0x3d: {  	s1 =	ssub.s32 @!p0 $0x0, s1;
	[sflag:s0] =	ssyncset.done @!p0 $0x0  }
0x3e: {  	[sflag:s0] =	ssyncadd.s32 @!p0 s1  }
0x3f: {  	[bflag:$0x3] =	sbarrier.arrive $0xFFFF  }
0x40: {  	_ =	shalt  }

</sc_bundles>
